<compile_context>
chip_gen: v7x
topology: tpu7x:2x2x1
jax: 0.10.2.dev20260603
libtpu: 0.0.44.dev20260713+nightly
codegen_flags: <defaults>
</compile_context>

<pallas_src>
import functools

import jax
import jax.numpy as jnp
from jax import lax
from jax.experimental import pallas as pl
from jax.experimental.pallas import tpu as pltpu
from jax.experimental.pallas import tpu_sc as plsc

_LANES = 16


@functools.lru_cache(maxsize=None)
def _build(batch: int, hist: int, vocab: int, dim: int):
  info = plsc.get_sparse_core_info()
  num_workers = info.num_cores * info.num_subcores
  assert batch % num_workers == 0
  bpt = batch // num_workers
  assert bpt % _LANES == 0 and dim == 2 * _LANES

  mesh = plsc.VectorSubcoreMesh(core_axis_name="c", subcore_axis_name="s")

  @functools.partial(
      pl.kernel,
      mesh=mesh,
      out_type=jax.ShapeDtypeStruct((hist, dim, batch), jnp.float32),
      scratch_types=[
          pltpu.VMEM((bpt * hist,), jnp.int32),
          *[pltpu.VMEM((bpt,), jnp.int32) for _ in range(2)],
          *[pltpu.VMEM((bpt, dim), jnp.float32) for _ in range(2)],
          *[pltpu.VMEM((dim, bpt), jnp.float32) for _ in range(2)],
          *[pltpu.SemaphoreType.DMA for _ in range(4)],
      ],
      compiler_params=pltpu.CompilerParams(
          use_tc_tiling_on_sc=False, needs_layout_passes=False),
  )
  def gather_kernel(idx_hbm, table_hbm, out_hbm, idx_v, ic0, ic1, rv0, rv1,
                    ot0, ot1, sg0, sg1, sw0, sw1):
    idx_col = (ic0, ic1)
    rows_v = (rv0, rv1)
    out_t = (ot0, ot1)
    sem_g = (sg0, sg1)
    sem_w = (sw0, sw1)
    wid = lax.axis_index("s") * info.num_cores + lax.axis_index("c")
    b0 = wid * bpt
    iota = lax.iota(jnp.int32, _LANES)

    pltpu.sync_copy(idx_hbm.at[pl.ds(b0 * hist, bpt * hist)], idx_v)

    def build_idx_col(h, p):
      for g in range(bpt // _LANES):
        vals = plsc.load_gather(idx_v, [(iota + (g * _LANES)) * hist + h])
        idx_col[p][pl.ds(g * _LANES, _LANES)] = vals

    def start_gather(p):
      pltpu.async_copy(table_hbm.at[idx_col[p]], rows_v[p], sem_g[p])

    for p in range(2):
      build_idx_col(p, p)
      start_gather(p)

    def per_pair(g, carry):
      for p in range(2):
        h = g * 2 + p
        pltpu.make_async_copy(table_hbm.at[idx_col[p]], rows_v[p],
                              sem_g[p]).wait()

        @pl.when(g >= 1)
        def _():
          pltpu.make_async_copy(out_t[p],
                                out_hbm.at[h - 2, :, pl.ds(b0, bpt)],
                                sem_w[p]).wait()

        def trans(j4, carry2):
          for u in range(4):
            j = j4 * 4 + u
            v_lo = rows_v[p][j, pl.ds(0, _LANES)]
            v_hi = rows_v[p][j, pl.ds(_LANES, _LANES)]
            jvec = jnp.full((_LANES,), 0, jnp.int32) + j
            plsc.store_scatter(out_t[p], [iota, jvec], v_lo)
            plsc.store_scatter(out_t[p], [iota + _LANES, jvec], v_hi)
          return carry2

        lax.fori_loop(0, bpt // 4, trans, 0)

        pltpu.async_copy(out_t[p], out_hbm.at[h, :, pl.ds(b0, bpt)],
                         sem_w[p])

        @pl.when(g < (hist // 2) - 1)
        def _():
          build_idx_col(h + 2, p)
          start_gather(p)

      return carry

    lax.fori_loop(0, hist // 2, per_pair, 0)

    for p in range(2):
      pltpu.make_async_copy(out_t[p], out_hbm.at[hist - 2 + p, :,
                                                 pl.ds(b0, bpt)],
                            sem_w[p]).wait()

  return gather_kernel


def kernel(input, weight):
  batch, hist = input.shape
  vocab, dim = weight.shape
  idx = input.reshape(-1).astype(jnp.int32)
  out_t = _build(batch, hist, vocab, dim)(idx, weight)
  return jnp.transpose(out_t, (2, 0, 1))

# --- scband reference (transcript-rebuilt; emitter-appended) ---
"""Pipeline reference for scband-embedding-67216238182927 (READ-ONLY COPY).

The authoritative reference and input builder live on the scoring server;
editing this copy changes nothing except your own understanding.
"""

import jax, jax.numpy as jnp
import numpy as np

VOCAB = 1000000
EMBED_DIM = 32
BATCH = 16384
HIST = 50

def setup_inputs(seed: int = 0) -> dict:
    key = jax.random.key(seed)
    k_idx, k_w = jax.random.split(key)
    input = jax.random.randint(k_idx, (BATCH, HIST), 0, VOCAB, dtype=jnp.int64)
    weight = jax.random.normal(k_w, (VOCAB, EMBED_DIM), dtype=jnp.float32)
    return {"input": input, "weight": weight}

def reference(input, weight):
    # Faithful translation of: return self.weight[input]
    return jnp.take(weight, input, axis=0)

if __name__ == "__main__":
    import jax
    _d = setup_inputs()
    print(jax.jit(kernel)(*tuple(_d.values())))

</pallas_src>

<mosaic_0001>
#map = affine_map<(d0, d1) -> (0)>
#map1 = affine_map<(d0, d1) -> (0, 0)>
#map2 = affine_map<(d0, d1) -> (0, 0, 0)>
module attributes {stable_mosaic.version = 14 : i64} {
  func.func @gather_kernel(%arg0: i32, %arg1: i32, %arg2: memref<819200xi32, #tpu.memory_space<hbm>>, %arg3: memref<1000000x32xf32, #tpu.memory_space<hbm>>, %arg4: memref<50x32x16384xf32, #tpu.memory_space<hbm>>, %arg5: memref<25600xi32, #tpu.memory_space<vmem>>, %arg6: memref<512xi32, #tpu.memory_space<vmem>>, %arg7: memref<512xi32, #tpu.memory_space<vmem>>, %arg8: memref<512x32xf32, #tpu.memory_space<vmem>>, %arg9: memref<512x32xf32, #tpu.memory_space<vmem>>, %arg10: memref<32x512xf32, #tpu.memory_space<vmem>>, %arg11: memref<32x512xf32, #tpu.memory_space<vmem>>, %arg12: memref<!tpu.dma_semaphore, #tpu.memory_space<semaphore_mem>>, %arg13: memref<!tpu.dma_semaphore, #tpu.memory_space<semaphore_mem>>, %arg14: memref<!tpu.dma_semaphore, #tpu.memory_space<semaphore_mem>>, %arg15: memref<!tpu.dma_semaphore, #tpu.memory_space<semaphore_mem>>) attributes {dimension_semantics = [#tpu.dimension_semantics<core_parallel>, #tpu.dimension_semantics<subcore_parallel>], iteration_bounds = array<i64: 2, 16>, scalar_prefetch = 0 : i64, scratch_operands = 11 : i64, tpu.core_type = #tpu.core_type<sc_vector_subcore>, window_params = [{transform_indices = #map}, {transform_indices = #map1}, {transform_indices = #map2}]} {
    %mul3A = arith.constant 2 : i32
    %mul3A_0 = arith.muli %arg1, %mul3A : i32
    %add3A = arith.addi %mul3A_0, %arg0 : i32
    %mul3A_1 = arith.constant 512 : i32
    %mul3A_2 = arith.muli %add3A, %mul3A_1 : i32
    %iota3A = tpu.iota {dimensions = array<i32: 0>} : vector<16xi32>
    %mul3A_3 = arith.constant 50 : i32
    %mul3A_4 = arith.muli %mul3A_2, %mul3A_3 : i32
    "tpu.region"() ({
      %run_scoped3A = tpu.sem_alloc : memref<!tpu.dma_semaphore, #tpu.memory_space<semaphore_mem>>
      %dma_start3A_794 = tpu.memref_slice %arg2[%mul3A_4] : memref<819200xi32, #tpu.memory_space<hbm>> -> memref<25600xi32, #tpu.memory_space<hbm>>
      %dma_start3A_795 = tpu.memref_slice %arg2[%mul3A_4] : memref<819200xi32, #tpu.memory_space<hbm>> -> memref<25600xi32, #tpu.memory_space<hbm>>
      tpu.enqueue_dma source(%dma_start3A_795 : memref<25600xi32, #tpu.memory_space<hbm>>) target(%arg5 : memref<25600xi32, #tpu.memory_space<vmem>>) target_semaphore(%run_scoped3A : memref<!tpu.dma_semaphore, #tpu.memory_space<semaphore_mem>>)
      %dma_wait3A_796 = tpu.memref_slice %arg2[%mul3A_4] : memref<819200xi32, #tpu.memory_space<hbm>> -> memref<25600xi32, #tpu.memory_space<hbm>>
      %dma_wait3A_797 = tpu.memref_slice %arg2[%mul3A_4] : memref<819200xi32, #tpu.memory_space<hbm>> -> memref<25600xi32, #tpu.memory_space<hbm>>
      tpu.wait_dma2 semaphore(%run_scoped3A : memref<!tpu.dma_semaphore, #tpu.memory_space<semaphore_mem>>) src(%dma_wait3A_797 : memref<25600xi32, #tpu.memory_space<hbm>>) dst(%arg5 : memref<25600xi32, #tpu.memory_space<vmem>>)
      tpu.yield
    }) : () -> ()
    %add3A_5 = arith.constant 0 : i32
    %add3A_6 = vector.broadcast %add3A_5 : i32 to vector<16xi32>
    %add3A_7 = arith.addi %iota3A, %add3A_6 : vector<16xi32>
    %mul3A_8 = arith.constant 50 : i32
    %mul3A_9 = vector.broadcast %mul3A_8 : i32 to vector<16xi32>
    %mul3A_10 = arith.muli %add3A_7, %mul3A_9 : vector<16xi32>
    %add3A_11 = arith.constant 0 : i32
    %add3A_12 = vector.broadcast %add3A_11 : i32 to vector<16xi32>
    %add3A_13 = arith.addi %mul3A_10, %add3A_12 : vector<16xi32>
    %gather3A = tpu.vector_load_idx %arg5[%add3A_13] : memref<25600xi32, #tpu.memory_space<vmem>>[vector<16xi32>], vector<16xi32>,
    %swap3A = arith.constant 0 : index
    %swap3A_14 = tpu.vector_load %arg6[%swap3A] {strides = array<i32>} : memref<512xi32, #tpu.memory_space<vmem>>, vector<16xi32>,
    tpu.vector_store %arg6[%swap3A], %gather3A {strides = array<i32>} : memref<512xi32, #tpu.memory_space<vmem>>, vector<16xi32>,
    %add3A_15 = arith.constant 16 : i32
    %add3A_16 = vector.broadcast %add3A_15 : i32 to vector<16xi32>
    %add3A_17 = arith.addi %iota3A, %add3A_16 : vector<16xi32>
    %mul3A_18 = arith.constant 50 : i32
    %mul3A_19 = vector.broadcast %mul3A_18 : i32 to vector<16xi32>
    %mul3A_20 = arith.muli %add3A_17, %mul3A_19 : vector<16xi32>
    %add3A_21 = arith.constant 0 : i32
    %add3A_22 = vector.broadcast %add3A_21 : i32 to vector<16xi32>
    %add3A_23 = arith.addi %mul3A_20, %add3A_22 : vector<16xi32>
    %gather3A_24 = tpu.vector_load_idx %arg5[%add3A_23] : memref<25600xi32, #tpu.memory_space<vmem>>[vector<16xi32>], vector<16xi32>,
    %swap3A_25 = arith.constant 16 : index
    %swap3A_26 = tpu.vector_load %arg6[%swap3A_25] {strides = array<i32>} : memref<512xi32, #tpu.memory_space<vmem>>, vector<16xi32>,
    tpu.vector_store %arg6[%swap3A_25], %gather3A_24 {strides = array<i32>} : memref<512xi32, #tpu.memory_space<vmem>>, vector<16xi32>,
    %add3A_27 = arith.constant 32 : i32
    %add3A_28 = vector.broadcast %add3A_27 : i32 to vector<16xi32>
    %add3A_29 = arith.addi %iota3A, %add3A_28 : vector<16xi32>
    %mul3A_30 = arith.constant 50 : i32
    %mul3A_31 = vector.broadcast %mul3A_30 : i32 to vector<16xi32>
    %mul3A_32 = arith.muli %add3A_29, %mul3A_31 : vector<16xi32>
    %add3A_33 = arith.constant 0 : i32
    %add3A_34 = vector.broadcast %add3A_33 : i32 to vector<16xi32>
    %add3A_35 = arith.addi %mul3A_32, %add3A_34 : vector<16xi32>
    %gather3A_36 = tpu.vector_load_idx %arg5[%add3A_35] : memref<25600xi32, #tpu.memory_space<vmem>>[vector<16xi32>], vector<16xi32>,
    %swap3A_37 = arith.constant 32 : index
    %swap3A_38 = tpu.vector_load %arg6[%swap3A_37] {strides = array<i32>} : memref<512xi32, #tpu.memory_space<vmem>>, vector<16xi32>,
    tpu.vector_store %arg6[%swap3A_37], %gather3A_36 {strides = array<i32>} : memref<512xi32, #tpu.memory_space<vmem>>, vector<16xi32>,
    %add3A_39 = arith.constant 48 : i32
    %add3A_40 = vector.broadcast %add3A_39 : i32 to vector<16xi32>
    %add3A_41 = arith.addi %iota3A, %add3A_40 : vector<16xi32>
    %mul3A_42 = arith.constant 50 : i32
    %mul3A_43 = vector.broadcast %mul3A_42 : i32 to vector<16xi32>
    %mul3A_44 = arith.muli %add3A_41, %mul3A_43 : vector<16xi32>
    %add3A_45 = arith.constant 0 : i32
    %add3A_46 = vector.broadcast %add3A_45 : i32 to vector<16xi32>
    %add3A_47 = arith.addi %mul3A_44, %add3A_46 : vector<16xi32>
    %gather3A_48 = tpu.vector_load_idx %arg5[%add3A_47] : memref<25600xi32, #tpu.memory_space<vmem>>[vector<16xi32>], vector<16xi32>,
    %swap3A_49 = arith.constant 48 : index
    %swap3A_50 = tpu.vector_load %arg6[%swap3A_49] {strides = array<i32>} : memref<512xi32, #tpu.memory_space<vmem>>, vector<16xi32>,
    tpu.vector_store %arg6[%swap3A_49], %gather3A_48 {strides = array<i32>} : memref<512xi32, #tpu.memory_space<vmem>>, vector<16xi32>,
    %add3A_51 = arith.constant 64 : i32
    %add3A_52 = vector.broadcast %add3A_51 : i32 to vector<16xi32>
    %add3A_53 = arith.addi %iota3A, %add3A_52 : vector<16xi32>
    %mul3A_54 = arith.constant 50 : i32
    %mul3A_55 = vector.broadcast %mul3A_54 : i32 to vector<16xi32>
    %mul3A_56 = arith.muli %add3A_53, %mul3A_55 : vector<16xi32>
    %add3A_57 = arith.constant 0 : i32
    %add3A_58 = vector.broadcast %add3A_57 : i32 to vector<16xi32>
    %add3A_59 = arith.addi %mul3A_56, %add3A_58 : vector<16xi32>
    %gather3A_60 = tpu.vector_load_idx %arg5[%add3A_59] : memref<25600xi32, #tpu.memory_space<vmem>>[vector<16xi32>], vector<16xi32>,
    %swap3A_61 = arith.constant 64 : index
    %swap3A_62 = tpu.vector_load %arg6[%swap3A_61] {strides = array<i32>} : memref<512xi32, #tpu.memory_space<vmem>>, vector<16xi32>,
    tpu.vector_store %arg6[%swap3A_61], %gather3A_60 {strides = array<i32>} : memref<512xi32, #tpu.memory_space<vmem>>, vector<16xi32>,
    %add3A_63 = arith.constant 80 : i32
    %add3A_64 = vector.broadcast %add3A_63 : i32 to vector<16xi32>
    %add3A_65 = arith.addi %iota3A, %add3A_64 : vector<16xi32>
    %mul3A_66 = arith.constant 50 : i32
    %mul3A_67 = vector.broadcast %mul3A_66 : i32 to vector<16xi32>
    %mul3A_68 = arith.muli %add3A_65, %mul3A_67 : vector<16xi32>
    %add3A_69 = arith.constant 0 : i32
    %add3A_70 = vector.broadcast %add3A_69 : i32 to vector<16xi32>
    %add3A_71 = arith.addi %mul3A_68, %add3A_70 : vector<16xi32>
    %gather3A_72 = tpu.vector_load_idx %arg5[%add3A_71] : memref<25600xi32, #tpu.memory_space<vmem>>[vector<16xi32>], vector<16xi32>,
    %swap3A_73 = arith.constant 80 : index
    %swap3A_74 = tpu.vector_load %arg6[%swap3A_73] {strides = array<i32>} : memref<512xi32, #tpu.memory_space<vmem>>, vector<16xi32>,
    tpu.vector_store %arg6[%swap3A_73], %gather3A_72 {strides = array<i32>} : memref<512xi32, #tpu.memory_space<vmem>>, vector<16xi32>,
    %add3A_75 = arith.constant 96 : i32
    %add3A_76 = vector.broadcast %add3A_75 : i32 to vector<16xi32>
    %add3A_77 = arith.addi %iota3A, %add3A_76 : vector<16xi32>
    %mul3A_78 = arith.constant 50 : i32
    %mul3A_79 = vector.broadcast %mul3A_78 : i32 to vector<16xi32>
    %mul3A_80 = arith.muli %add3A_77, %mul3A_79 : vector<16xi32>
    %add3A_81 = arith.constant 0 : i32
    %add3A_82 = vector.broadcast %add3A_81 : i32 to vector<16xi32>
    %add3A_83 = arith.addi %mul3A_80, %add3A_82 : vector<16xi32>
    %gather3A_84 = tpu.vector_load_idx %arg5[%add3A_83] : memref<25600xi32, #tpu.memory_space<vmem>>[vector<16xi32>], vector<16xi32>,
    %swap3A_85 = arith.constant 96 : index
    %swap3A_86 = tpu.vector_load %arg6[%swap3A_85] {strides = array<i32>} : memref<512xi32, #tpu.memory_space<vmem>>, vector<16xi32>,
    tpu.vector_store %arg6[%swap3A_85], %gather3A_84 {strides = array<i32>} : memref<512xi32, #tpu.memory_space<vmem>>, vector<16xi32>,
    %add3A_87 = arith.constant 112 : i32
    %add3A_88 = vector.broadcast %add3A_87 : i32 to vector<16xi32>
    %add3A_89 = arith.addi %iota3A, %add3A_88 : vector<16xi32>
    %mul3A_90 = arith.constant 50 : i32
    %mul3A_91 = vector.broadcast %mul3A_90 : i32 to vector<16xi32>
    %mul3A_92 = arith.muli %add3A_89, %mul3A_91 : vector<16xi32>
    %add3A_93 = arith.constant 0 : i32
    %add3A_94 = vector.broadcast %add3A_93 : i32 to vector<16xi32>
    %add3A_95 = arith.addi %mul3A_92, %add3A_94 : vector<16xi32>
    %gather3A_96 = tpu.vector_load_idx %arg5[%add3A_95] : memref<25600xi32, #tpu.memory_space<vmem>>[vector<16xi32>], vector<16xi32>,
    %swap3A_97 = arith.constant 112 : index
    %swap3A_98 = tpu.vector_load %arg6[%swap3A_97] {strides = array<i32>} : memref<512xi32, #tpu.memory_space<vmem>>, vector<16xi32>,
    tpu.vector_store %arg6[%swap3A_97], %gather3A_96 {strides = array<i32>} : memref<512xi32, #tpu.memory_space<vmem>>, vector<16xi32>,
    %add3A_99 = arith.constant 128 : i32
    %add3A_100 = vector.broadcast %add3A_99 : i32 to vector<16xi32>
    %add3A_101 = arith.addi %iota3A, %add3A_100 : vector<16xi32>
    %mul3A_102 = arith.constant 50 : i32
    %mul3A_103 = vector.broadcast %mul3A_102 : i32 to vector<16xi32>
    %mul3A_104 = arith.muli %add3A_101, %mul3A_103 : vector<16xi32>
    %add3A_105 = arith.constant 0 : i32
    %add3A_106 = vector.broadcast %add3A_105 : i32 to vector<16xi32>
    %add3A_107 = arith.addi %mul3A_104, %add3A_106 : vector<16xi32>
    %gather3A_108 = tpu.vector_load_idx %arg5[%add3A_107] : memref<25600xi32, #tpu.memory_space<vmem>>[vector<16xi32>], vector<16xi32>,
    %swap3A_109 = arith.constant 128 : index
    %swap3A_110 = tpu.vector_load %arg6[%swap3A_109] {strides = array<i32>} : memref<512xi32, #tpu.memory_space<vmem>>, vector<16xi32>,
    tpu.vector_store %arg6[%swap3A_109], %gather3A_108 {strides = array<i32>} : memref<512xi32, #tpu.memory_space<vmem>>, vector<16xi32>,
    %add3A_111 = arith.constant 144 : i32
    %add3A_112 = vector.broadcast %add3A_111 : i32 to vector<16xi32>
    %add3A_113 = arith.addi %iota3A, %add3A_112 : vector<16xi32>
    %mul3A_114 = arith.constant 50 : i32
    %mul3A_115 = vector.broadcast %mul3A_114 : i32 to vector<16xi32>
    %mul3A_116 = arith.muli %add3A_113, %mul3A_115 : vector<16xi32>
    %add3A_117 = arith.constant 0 : i32
    %add3A_118 = vector.broadcast %add3A_117 : i32 to vector<16xi32>
    %add3A_119 = arith.addi %mul3A_116, %add3A_118 : vector<16xi32>
    %gather3A_120 = tpu.vector_load_idx %arg5[%add3A_119] : memref<25600xi32, #tpu.memory_space<vmem>>[vector<16xi32>], vector<16xi32>,
    %swap3A_121 = arith.constant 144 : index
    %swap3A_122 = tpu.vector_load %arg6[%swap3A_121] {strides = array<i32>} : memref<512xi32, #tpu.memory_space<vmem>>, vector<16xi32>,
    tpu.vector_store %arg6[%swap3A_121], %gather3A_120 {strides = array<i32>} : memref<512xi32, #tpu.memory_space<vmem>>, vector<16xi32>,
    %add3A_123 = arith.constant 160 : i32
    %add3A_124 = vector.broadcast %add3A_123 : i32 to vector<16xi32>
    %add3A_125 = arith.addi %iota3A, %add3A_124 : vector<16xi32>
    %mul3A_126 = arith.constant 50 : i32
    %mul3A_127 = vector.broadcast %mul3A_126 : i32 to vector<16xi32>
    %mul3A_128 = arith.muli %add3A_125, %mul3A_127 : vector<16xi32>
    %add3A_129 = arith.constant 0 : i32
    %add3A_130 = vector.broadcast %add3A_129 : i32 to vector<16xi32>
    %add3A_131 = arith.addi %mul3A_128, %add3A_130 : vector<16xi32>
    %gather3A_132 = tpu.vector_load_idx %arg5[%add3A_131] : memref<25600xi32, #tpu.memory_space<vmem>>[vector<16xi32>], vector<16xi32>,
    %swap3A_133 = arith.constant 160 : index
    %swap3A_134 = tpu.vector_load %arg6[%swap3A_133] {strides = array<i32>} : memref<512xi32, #tpu.memory_space<vmem>>, vector<16xi32>,
    tpu.vector_store %arg6[%swap3A_133], %gather3A_132 {strides = array<i32>} : memref<512xi32, #tpu.memory_space<vmem>>, vector<16xi32>,
    %add3A_135 = arith.constant 176 : i32
    %add3A_136 = vector.broadcast %add3A_135 : i32 to vector<16xi32>
    %add3A_137 = arith.addi %iota3A, %add3A_136 : vector<16xi32>
    %mul3A_138 = arith.constant 50 : i32
    %mul3A_139 = vector.broadcast %mul3A_138 : i32 to vector<16xi32>
    %mul3A_140 = arith.muli %add3A_137, %mul3A_139 : vector<16xi32>
    %add3A_141 = arith.constant 0 : i32
    %add3A_142 = vector.broadcast %add3A_141 : i32 to vector<16xi32>
    %add3A_143 = arith.addi %mul3A_140, %add3A_142 : vector<16xi32>
    %gather3A_144 = tpu.vector_load_idx %arg5[%add3A_143] : memref<25600xi32, #tpu.memory_space<vmem>>[vector<16xi32>], vector<16xi32>,
    %swap3A_145 = arith.constant 176 : index
    %swap3A_146 = tpu.vector_load %arg6[%swap3A_145] {strides = array<i32>} : memref<512xi32, #tpu.memory_space<vmem>>, vector<16xi32>,
    tpu.vector_store %arg6[%swap3A_145], %gather3A_144 {strides = array<i32>} : memref<512xi32, #tpu.memory_space<vmem>>, vector<16xi32>,
    %add3A_147 = arith.constant 192 : i32
    %add3A_148 = vector.broadcast %add3A_147 : i32 to vector<16xi32>
    %add3A_149 = arith.addi %iota3A, %add3A_148 : vector<16xi32>
    %mul3A_150 = arith.constant 50 : i32
    %mul3A_151 = vector.broadcast %mul3A_150 : i32 to vector<16xi32>
    %mul3A_152 = arith.muli %add3A_149, %mul3A_151 : vector<16xi32>
    %add3A_153 = arith.constant 0 : i32
    %add3A_154 = vector.broadcast %add3A_153 : i32 to vector<16xi32>
    %add3A_155 = arith.addi %mul3A_152, %add3A_154 : vector<16xi32>
    %gather3A_156 = tpu.vector_load_idx %arg5[%add3A_155] : memref<25600xi32, #tpu.memory_space<vmem>>[vector<16xi32>], vector<16xi32>,
    %swap3A_157 = arith.constant 192 : index
    %swap3A_158 = tpu.vector_load %arg6[%swap3A_157] {strides = array<i32>} : memref<512xi32, #tpu.memory_space<vmem>>, vector<16xi32>,
    tpu.vector_store %arg6[%swap3A_157], %gather3A_156 {strides = array<i32>} : memref<512xi32, #tpu.memory_space<vmem>>, vector<16xi32>,
    %add3A_159 = arith.constant 208 : i32
    %add3A_160 = vector.broadcast %add3A_159 : i32 to vector<16xi32>
    %add3A_161 = arith.addi %iota3A, %add3A_160 : vector<16xi32>
    %mul3A_162 = arith.constant 50 : i32
    %mul3A_163 = vector.broadcast %mul3A_162 : i32 to vector<16xi32>
    %mul3A_164 = arith.muli %add3A_161, %mul3A_163 : vector<16xi32>
    %add3A_165 = arith.constant 0 : i32
    %add3A_166 = vector.broadcast %add3A_165 : i32 to vector<16xi32>
    %add3A_167 = arith.addi %mul3A_164, %add3A_166 : vector<16xi32>
    %gather3A_168 = tpu.vector_load_idx %arg5[%add3A_167] : memref<25600xi32, #tpu.memory_space<vmem>>[vector<16xi32>], vector<16xi32>,
    %swap3A_169 = arith.constant 208 : index
    %swap3A_170 = tpu.vector_load %arg6[%swap3A_169] {strides = array<i32>} : memref<512xi32, #tpu.memory_space<vmem>>, vector<16xi32>,
    tpu.vector_store %arg6[%swap3A_169], %gather3A_168 {strides = array<i32>} : memref<512xi32, #tpu.memory_space<vmem>>, vector<16xi32>,
    %add3A_171 = arith.constant 224 : i32
    %add3A_172 = vector.broadcast %add3A_171 : i32 to vector<16xi32>
    %add3A_173 = arith.addi %iota3A, %add3A_172 : vector<16xi32>
    %mul3A_174 = arith.constant 50 : i32
    %mul3A_175 = vector.broadcast %mul3A_174 : i32 to vector<16xi32>
    %mul3A_176 = arith.muli %add3A_173, %mul3A_175 : vector<16xi32>
    %add3A_177 = arith.constant 0 : i32
    %add3A_178 = vector.broadcast %add3A_177 : i32 to vector<16xi32>
    %add3A_179 = arith.addi %mul3A_176, %add3A_178 : vector<16xi32>
    %gather3A_180 = tpu.vector_load_idx %arg5[%add3A_179] : memref<25600xi32, #tpu.memory_space<vmem>>[vector<16xi32>], vector<16xi32>,
    %swap3A_181 = arith.constant 224 : index
    %swap3A_182 = tpu.vector_load %arg6[%swap3A_181] {strides = array<i32>} : memref<512xi32, #tpu.memory_space<vmem>>, vector<16xi32>,
    tpu.vector_store %arg6[%swap3A_181], %gather3A_180 {strides = array<i32>} : memref<512xi32, #tpu.memory_space<vmem>>, vector<16xi32>,
    %add3A_183 = arith.constant 240 : i32
    %add3A_184 = vector.broadcast %add3A_183 : i32 to vector<16xi32>
    %add3A_185 = arith.addi %iota3A, %add3A_184 : vector<16xi32>
    %mul3A_186 = arith.constant 50 : i32
    %mul3A_187 = vector.broadcast %mul3A_186 : i32 to vector<16xi32>
    %mul3A_188 = arith.muli %add3A_185, %mul3A_187 : vector<16xi32>
    %add3A_189 = arith.constant 0 : i32
    %add3A_190 = vector.broadcast %add3A_189 : i32 to vector<16xi32>
    %add3A_191 = arith.addi %mul3A_188, %add3A_190 : vector<16xi32>
    %gather3A_192 = tpu.vector_load_idx %arg5[%add3A_191] : memref<25600xi32, #tpu.memory_space<vmem>>[vector<16xi32>], vector<16xi32>,
    %swap3A_193 = arith.constant 240 : index
    %swap3A_194 = tpu.vector_load %arg6[%swap3A_193] {strides = array<i32>} : memref<512xi32, #tpu.memory_space<vmem>>, vector<16xi32>,
    tpu.vector_store %arg6[%swap3A_193], %gather3A_192 {strides = array<i32>} : memref<512xi32, #tpu.memory_space<vmem>>, vector<16xi32>,
    %add3A_195 = arith.constant 256 : i32
    %add3A_196 = vector.broadcast %add3A_195 : i32 to vector<16xi32>
    %add3A_197 = arith.addi %iota3A, %add3A_196 : vector<16xi32>
    %mul3A_198 = arith.constant 50 : i32
    %mul3A_199 = vector.broadcast %mul3A_198 : i32 to vector<16xi32>
    %mul3A_200 = arith.muli %add3A_197, %mul3A_199 : vector<16xi32>
    %add3A_201 = arith.constant 0 : i32
    %add3A_202 = vector.broadcast %add3A_201 : i32 to vector<16xi32>
    %add3A_203 = arith.addi %mul3A_200, %add3A_202 : vector<16xi32>
    %gather3A_204 = tpu.vector_load_idx %arg5[%add3A_203] : memref<25600xi32, #tpu.memory_space<vmem>>[vector<16xi32>], vector<16xi32>,
    %swap3A_205 = arith.constant 256 : index
    %swap3A_206 = tpu.vector_load %arg6[%swap3A_205] {strides = array<i32>} : memref<512xi32, #tpu.memory_space<vmem>>, vector<16xi32>,
    tpu.vector_store %arg6[%swap3A_205], %gather3A_204 {strides = array<i32>} : memref<512xi32, #tpu.memory_space<vmem>>, vector<16xi32>,
    %add3A_207 = arith.constant 272 : i32
    %add3A_208 = vector.broadcast %add3A_207 : i32 to vector<16xi32>
    %add3A_209 = arith.addi %iota3A, %add3A_208 : vector<16xi32>
    %mul3A_210 = arith.constant 50 : i32
    %mul3A_211 = vector.broadcast %mul3A_210 : i32 to vector<16xi32>
    %mul3A_212 = arith.muli %add3A_209, %mul3A_211 : vector<16xi32>
    %add3A_213 = arith.constant 0 : i32
    %add3A_214 = vector.broadcast %add3A_213 : i32 to vector<16xi32>
    %add3A_215 = arith.addi %mul3A_212, %add3A_214 : vector<16xi32>
    %gather3A_216 = tpu.vector_load_idx %arg5[%add3A_215] : memref<25600xi32, #tpu.memory_space<vmem>>[vector<16xi32>], vector<16xi32>,
    %swap3A_217 = arith.constant 272 : index
    %swap3A_218 = tpu.vector_load %arg6[%swap3A_217] {strides = array<i32>} : memref<512xi32, #tpu.memory_space<vmem>>, vector<16xi32>,
    tpu.vector_store %arg6[%swap3A_217], %gather3A_216 {strides = array<i32>} : memref<512xi32, #tpu.memory_space<vmem>>, vector<16xi32>,
    %add3A_219 = arith.constant 288 : i32
    %add3A_220 = vector.broadcast %add3A_219 : i32 to vector<16xi32>
    %add3A_221 = arith.addi %iota3A, %add3A_220 : vector<16xi32>
    %mul3A_222 = arith.constant 50 : i32
    %mul3A_223 = vector.broadcast %mul3A_222 : i32 to vector<16xi32>
    %mul3A_224 = arith.muli %add3A_221, %mul3A_223 : vector<16xi32>
    %add3A_225 = arith.constant 0 : i32
    %add3A_226 = vector.broadcast %add3A_225 : i32 to vector<16xi32>
    %add3A_227 = arith.addi %mul3A_224, %add3A_226 : vector<16xi32>
    %gather3A_228 = tpu.vector_load_idx %arg5[%add3A_227] : memref<25600xi32, #tpu.memory_space<vmem>>[vector<16xi32>], vector<16xi32>,
    %swap3A_229 = arith.constant 288 : index
    %swap3A_230 = tpu.vector_load %arg6[%swap3A_229] {strides = array<i32>} : memref<512xi32, #tpu.memory_space<vmem>>, vector<16xi32>,
    tpu.vector_store %arg6[%swap3A_229], %gather3A_228 {strides = array<i32>} : memref<512xi32, #tpu.memory_space<vmem>>, vector<16xi32>,
    %add3A_231 = arith.constant 304 : i32
    %add3A_232 = vector.broadcast %add3A_231 : i32 to vector<16xi32>
    %add3A_233 = arith.addi %iota3A, %add3A_232 : vector<16xi32>
    %mul3A_234 = arith.constant 50 : i32
    %mul3A_235 = vector.broadcast %mul3A_234 : i32 to vector<16xi32>
    %mul3A_236 = arith.muli %add3A_233, %mul3A_235 : vector<16xi32>
    %add3A_237 = arith.constant 0 : i32
    %add3A_238 = vector.broadcast %add3A_237 : i32 to vector<16xi32>
    %add3A_239 = arith.addi %mul3A_236, %add3A_238 : vector<16xi32>
    %gather3A_240 = tpu.vector_load_idx %arg5[%add3A_239] : memref<25600xi32, #tpu.memory_space<vmem>>[vector<16xi32>], vector<16xi32>,
    %swap3A_241 = arith.constant 304 : index
    %swap3A_242 = tpu.vector_load %arg6[%swap3A_241] {strides = array<i32>} : memref<512xi32, #tpu.memory_space<vmem>>, vector<16xi32>,
    tpu.vector_store %arg6[%swap3A_241], %gather3A_240 {strides = array<i32>} : memref<512xi32, #tpu.memory_space<vmem>>, vector<16xi32>,
    %add3A_243 = arith.constant 320 : i32
    %add3A_244 = vector.broadcast %add3A_243 : i32 to vector<16xi32>
    %add3A_245 = arith.addi %iota3A, %add3A_244 : vector<16xi32>
    %mul3A_246 = arith.constant 50 : i32
    %mul3A_247 = vector.broadcast %mul3A_246 : i32 to vector<16xi32>
    %mul3A_248 = arith.muli %add3A_245, %mul3A_247 : vector<16xi32>
    %add3A_249 = arith.constant 0 : i32
    %add3A_250 = vector.broadcast %add3A_249 : i32 to vector<16xi32>
    %add3A_251 = arith.addi %mul3A_248, %add3A_250 : vector<16xi32>
    %gather3A_252 = tpu.vector_load_idx %arg5[%add3A_251] : memref<25600xi32, #tpu.memory_space<vmem>>[vector<16xi32>], vector<16xi32>,
    %swap3A_253 = arith.constant 320 : index
    %swap3A_254 = tpu.vector_load %arg6[%swap3A_253] {strides = array<i32>} : memref<512xi32, #tpu.memory_space<vmem>>, vector<16xi32>,
    tpu.vector_store %arg6[%swap3A_253], %gather3A_252 {strides = array<i32>} : memref<512xi32, #tpu.memory_space<vmem>>, vector<16xi32>,
    %add3A_255 = arith.constant 336 : i32
    %add3A_256 = vector.broadcast %add3A_255 : i32 to vector<16xi32>
    %add3A_257 = arith.addi %iota3A, %add3A_256 : vector<16xi32>
    %mul3A_258 = arith.constant 50 : i32
    %mul3A_259 = vector.broadcast %mul3A_258 : i32 to vector<16xi32>
    %mul3A_260 = arith.muli %add3A_257, %mul3A_259 : vector<16xi32>
    %add3A_261 = arith.constant 0 : i32
    %add3A_262 = vector.broadcast %add3A_261 : i32 to vector<16xi32>
    %add3A_263 = arith.addi %mul3A_260, %add3A_262 : vector<16xi32>
    %gather3A_264 = tpu.vector_load_idx %arg5[%add3A_263] : memref<25600xi32, #tpu.memory_space<vmem>>[vector<16xi32>], vector<16xi32>,
    %swap3A_265 = arith.constant 336 : index
    %swap3A_266 = tpu.vector_load %arg6[%swap3A_265] {strides = array<i32>} : memref<512xi32, #tpu.memory_space<vmem>>, vector<16xi32>,
    tpu.vector_store %arg6[%swap3A_265], %gather3A_264 {strides = array<i32>} : memref<512xi32, #tpu.memory_space<vmem>>, vector<16xi32>,
    %add3A_267 = arith.constant 352 : i32
    %add3A_268 = vector.broadcast %add3A_267 : i32 to vector<16xi32>
    %add3A_269 = arith.addi %iota3A, %add3A_268 : vector<16xi32>
    %mul3A_270 = arith.constant 50 : i32
    %mul3A_271 = vector.broadcast %mul3A_270 : i32 to vector<16xi32>
    %mul3A_272 = arith.muli %add3A_269, %mul3A_271 : vector<16xi32>
    %add3A_273 = arith.constant 0 : i32
    %add3A_274 = vector.broadcast %add3A_273 : i32 to vector<16xi32>
    %add3A_275 = arith.addi %mul3A_272, %add3A_274 : vector<16xi32>
    %gather3A_276 = tpu.vector_load_idx %arg5[%add3A_275] : memref<25600xi32, #tpu.memory_space<vmem>>[vector<16xi32>], vector<16xi32>,
    %swap3A_277 = arith.constant 352 : index
    %swap3A_278 = tpu.vector_load %arg6[%swap3A_277] {strides = array<i32>} : memref<512xi32, #tpu.memory_space<vmem>>, vector<16xi32>,
    tpu.vector_store %arg6[%swap3A_277], %gather3A_276 {strides = array<i32>} : memref<512xi32, #tpu.memory_space<vmem>>, vector<16xi32>,
    %add3A_279 = arith.constant 368 : i32
    %add3A_280 = vector.broadcast %add3A_279 : i32 to vector<16xi32>
    %add3A_281 = arith.addi %iota3A, %add3A_280 : vector<16xi32>
    %mul3A_282 = arith.constant 50 : i32
    %mul3A_283 = vector.broadcast %mul3A_282 : i32 to vector<16xi32>
    %mul3A_284 = arith.muli %add3A_281, %mul3A_283 : vector<16xi32>
    %add3A_285 = arith.constant 0 : i32
    %add3A_286 = vector.broadcast %add3A_285 : i32 to vector<16xi32>
    %add3A_287 = arith.addi %mul3A_284, %add3A_286 : vector<16xi32>
    %gather3A_288 = tpu.vector_load_idx %arg5[%add3A_287] : memref<25600xi32, #tpu.memory_space<vmem>>[vector<16xi32>], vector<16xi32>,
    %swap3A_289 = arith.constant 368 : index
    %swap3A_290 = tpu.vector_load %arg6[%swap3A_289] {strides = array<i32>} : memref<512xi32, #tpu.memory_space<vmem>>, vector<16xi32>,
    tpu.vector_store %arg6[%swap3A_289], %gather3A_288 {strides = array<i32>} : memref<512xi32, #tpu.memory_space<vmem>>, vector<16xi32>,
    %add3A_291 = arith.constant 384 : i32
    %add3A_292 = vector.broadcast %add3A_291 : i32 to vector<16xi32>
    %add3A_293 = arith.addi %iota3A, %add3A_292 : vector<16xi32>
    %mul3A_294 = arith.constant 50 : i32
    %mul3A_295 = vector.broadcast %mul3A_294 : i32 to vector<16xi32>
    %mul3A_296 = arith.muli %add3A_293, %mul3A_295 : vector<16xi32>
    %add3A_297 = arith.constant 0 : i32
    %add3A_298 = vector.broadcast %add3A_297 : i32 to vector<16xi32>
    %add3A_299 = arith.addi %mul3A_296, %add3A_298 : vector<16xi32>
    %gather3A_300 = tpu.vector_load_idx %arg5[%add3A_299] : memref<25600xi32, #tpu.memory_space<vmem>>[vector<16xi32>], vector<16xi32>,
    %swap3A_301 = arith.constant 384 : index
    %swap3A_302 = tpu.vector_load %arg6[%swap3A_301] {strides = array<i32>} : memref<512xi32, #tpu.memory_space<vmem>>, vector<16xi32>,
    tpu.vector_store %arg6[%swap3A_301], %gather3A_300 {strides = array<i32>} : memref<512xi32, #tpu.memory_space<vmem>>, vector<16xi32>,
    %add3A_303 = arith.constant 400 : i32
    %add3A_304 = vector.broadcast %add3A_303 : i32 to vector<16xi32>
    %add3A_305 = arith.addi %iota3A, %add3A_304 : vector<16xi32>
    %mul3A_306 = arith.constant 50 : i32
    %mul3A_307 = vector.broadcast %mul3A_306 : i32 to vector<16xi32>
    %mul3A_308 = arith.muli %add3A_305, %mul3A_307 : vector<16xi32>
    %add3A_309 = arith.constant 0 : i32
    %add3A_310 = vector.broadcast %add3A_309 : i32 to vector<16xi32>
    %add3A_311 = arith.addi %mul3A_308, %add3A_310 : vector<16xi32>
    %gather3A_312 = tpu.vector_load_idx %arg5[%add3A_311] : memref<25600xi32, #tpu.memory_space<vmem>>[vector<16xi32>], vector<16xi32>,
    %swap3A_313 = arith.constant 400 : index
    %swap3A_314 = tpu.vector_load %arg6[%swap3A_313] {strides = array<i32>} : memref<512xi32, #tpu.memory_space<vmem>>, vector<16xi32>,
    tpu.vector_store %arg6[%swap3A_313], %gather3A_312 {strides = array<i32>} : memref<512xi32, #tpu.memory_space<vmem>>, vector<16xi32>,
    %add3A_315 = arith.constant 416 : i32
    %add3A_316 = vector.broadcast %add3A_315 : i32 to vector<16xi32>
    %add3A_317 = arith.addi %iota3A, %add3A_316 : vector<16xi32>
    %mul3A_318 = arith.constant 50 : i32
    %mul3A_319 = vector.broadcast %mul3A_318 : i32 to vector<16xi32>
    %mul3A_320 = arith.muli %add3A_317, %mul3A_319 : vector<16xi32>
    %add3A_321 = arith.constant 0 : i32
    %add3A_322 = vector.broadcast %add3A_321 : i32 to vector<16xi32>
    %add3A_323 = arith.addi %mul3A_320, %add3A_322 : vector<16xi32>
    %gather3A_324 = tpu.vector_load_idx %arg5[%add3A_323] : memref<25600xi32, #tpu.memory_space<vmem>>[vector<16xi32>], vector<16xi32>,
    %swap3A_325 = arith.constant 416 : index
    %swap3A_326 = tpu.vector_load %arg6[%swap3A_325] {strides = array<i32>} : memref<512xi32, #tpu.memory_space<vmem>>, vector<16xi32>,
    tpu.vector_store %arg6[%swap3A_325], %gather3A_324 {strides = array<i32>} : memref<512xi32, #tpu.memory_space<vmem>>, vector<16xi32>,
    %add3A_327 = arith.constant 432 : i32
    %add3A_328 = vector.broadcast %add3A_327 : i32 to vector<16xi32>
    %add3A_329 = arith.addi %iota3A, %add3A_328 : vector<16xi32>
    %mul3A_330 = arith.constant 50 : i32
    %mul3A_331 = vector.broadcast %mul3A_330 : i32 to vector<16xi32>
    %mul3A_332 = arith.muli %add3A_329, %mul3A_331 : vector<16xi32>
    %add3A_333 = arith.constant 0 : i32
    %add3A_334 = vector.broadcast %add3A_333 : i32 to vector<16xi32>
    %add3A_335 = arith.addi %mul3A_332, %add3A_334 : vector<16xi32>
    %gather3A_336 = tpu.vector_load_idx %arg5[%add3A_335] : memref<25600xi32, #tpu.memory_space<vmem>>[vector<16xi32>], vector<16xi32>,
    %swap3A_337 = arith.constant 432 : index
    %swap3A_338 = tpu.vector_load %arg6[%swap3A_337] {strides = array<i32>} : memref<512xi32, #tpu.memory_space<vmem>>, vector<16xi32>,
    tpu.vector_store %arg6[%swap3A_337], %gather3A_336 {strides = array<i32>} : memref<512xi32, #tpu.memory_space<vmem>>, vector<16xi32>,
    %add3A_339 = arith.constant 448 : i32
    %add3A_340 = vector.broadcast %add3A_339 : i32 to vector<16xi32>
    %add3A_341 = arith.addi %iota3A, %add3A_340 : vector<16xi32>
    %mul3A_342 = arith.constant 50 : i32
    %mul3A_343 = vector.broadcast %mul3A_342 : i32 to vector<16xi32>
    %mul3A_344 = arith.muli %add3A_341, %mul3A_343 : vector<16xi32>
    %add3A_345 = arith.constant 0 : i32
    %add3A_346 = vector.broadcast %add3A_345 : i32 to vector<16xi32>
    %add3A_347 = arith.addi %mul3A_344, %add3A_346 : vector<16xi32>
    %gather3A_348 = tpu.vector_load_idx %arg5[%add3A_347] : memref<25600xi32, #tpu.memory_space<vmem>>[vector<16xi32>], vector<16xi32>,
    %swap3A_349 = arith.constant 448 : index
    %swap3A_350 = tpu.vector_load %arg6[%swap3A_349] {strides = array<i32>} : memref<512xi32, #tpu.memory_space<vmem>>, vector<16xi32>,
    tpu.vector_store %arg6[%swap3A_349], %gather3A_348 {strides = array<i32>} : memref<512xi32, #tpu.memory_space<vmem>>, vector<16xi32>,
    %add3A_351 = arith.constant 464 : i32
    %add3A_352 = vector.broadcast %add3A_351 : i32 to vector<16xi32>
    %add3A_353 = arith.addi %iota3A, %add3A_352 : vector<16xi32>
    %mul3A_354 = arith.constant 50 : i32
    %mul3A_355 = vector.broadcast %mul3A_354 : i32 to vector<16xi32>
    %mul3A_356 = arith.muli %add3A_353, %mul3A_355 : vector<16xi32>
    %add3A_357 = arith.constant 0 : i32
    %add3A_358 = vector.broadcast %add3A_357 : i32 to vector<16xi32>
    %add3A_359 = arith.addi %mul3A_356, %add3A_358 : vector<16xi32>
    %gather3A_360 = tpu.vector_load_idx %arg5[%add3A_359] : memref<25600xi32, #tpu.memory_space<vmem>>[vector<16xi32>], vector<16xi32>,
    %swap3A_361 = arith.constant 464 : index
    %swap3A_362 = tpu.vector_load %arg6[%swap3A_361] {strides = array<i32>} : memref<512xi32, #tpu.memory_space<vmem>>, vector<16xi32>,
    tpu.vector_store %arg6[%swap3A_361], %gather3A_360 {strides = array<i32>} : memref<512xi32, #tpu.memory_space<vmem>>, vector<16xi32>,
    %add3A_363 = arith.constant 480 : i32
    %add3A_364 = vector.broadcast %add3A_363 : i32 to vector<16xi32>
    %add3A_365 = arith.addi %iota3A, %add3A_364 : vector<16xi32>
    %mul3A_366 = arith.constant 50 : i32
    %mul3A_367 = vector.broadcast %mul3A_366 : i32 to vector<16xi32>
    %mul3A_368 = arith.muli %add3A_365, %mul3A_367 : vector<16xi32>
    %add3A_369 = arith.constant 0 : i32
    %add3A_370 = vector.broadcast %add3A_369 : i32 to vector<16xi32>
    %add3A_371 = arith.addi %mul3A_368, %add3A_370 : vector<16xi32>
    %gather3A_372 = tpu.vector_load_idx %arg5[%add3A_371] : memref<25600xi32, #tpu.memory_space<vmem>>[vector<16xi32>], vector<16xi32>,
    %swap3A_373 = arith.constant 480 : index
    %swap3A_374 = tpu.vector_load %arg6[%swap3A_373] {strides = array<i32>} : memref<512xi32, #tpu.memory_space<vmem>>, vector<16xi32>,
    tpu.vector_store %arg6[%swap3A_373], %gather3A_372 {strides = array<i32>} : memref<512xi32, #tpu.memory_space<vmem>>, vector<16xi32>,
    %add3A_375 = arith.constant 496 : i32
    %add3A_376 = vector.broadcast %add3A_375 : i32 to vector<16xi32>
    %add3A_377 = arith.addi %iota3A, %add3A_376 : vector<16xi32>
    %mul3A_378 = arith.constant 50 : i32
    %mul3A_379 = vector.broadcast %mul3A_378 : i32 to vector<16xi32>
    %mul3A_380 = arith.muli %add3A_377, %mul3A_379 : vector<16xi32>
    %add3A_381 = arith.constant 0 : i32
    %add3A_382 = vector.broadcast %add3A_381 : i32 to vector<16xi32>
    %add3A_383 = arith.addi %mul3A_380, %add3A_382 : vector<16xi32>
    %gather3A_384 = tpu.vector_load_idx %arg5[%add3A_383] : memref<25600xi32, #tpu.memory_space<vmem>>[vector<16xi32>], vector<16xi32>,
    %swap3A_385 = arith.constant 496 : index
    %swap3A_386 = tpu.vector_load %arg6[%swap3A_385] {strides = array<i32>} : memref<512xi32, #tpu.memory_space<vmem>>, vector<16xi32>,
    tpu.vector_store %arg6[%swap3A_385], %gather3A_384 {strides = array<i32>} : memref<512xi32, #tpu.memory_space<vmem>>, vector<16xi32>,
    %dma_start3A = arith.constant 0 : i32
    %dma_start3A_387 = arith.constant 0 : i32
    %dma_start3A_388 = tpu.memref_slice %arg3[%dma_start3A, %dma_start3A_387] : memref<1000000x32xf32, #tpu.memory_space<hbm>> -> memref<1000000x32xf32, #tpu.memory_space<hbm>>
    tpu.enqueue_indirect_dma source(%dma_start3A_388 : memref<1000000x32xf32, #tpu.memory_space<hbm>>) target(%arg8 : memref<512x32xf32, #tpu.memory_space<vmem>>) offsets(%arg6 : memref<512xi32, #tpu.memory_space<vmem>>) semaphore(%arg12 : memref<!tpu.dma_semaphore, #tpu.memory_space<semaphore_mem>>)
    %add3A_389 = arith.constant 0 : i32
    %add3A_390 = vector.broadcast %add3A_389 : i32 to vector<16xi32>
    %add3A_391 = arith.addi %iota3A, %add3A_390 : vector<16xi32>
    %mul3A_392 = arith.constant 50 : i32
    %mul3A_393 = vector.broadcast %mul3A_392 : i32 to vector<16xi32>
    %mul3A_394 = arith.muli %add3A_391, %mul3A_393 : vector<16xi32>
    %add3A_395 = arith.constant 1 : i32
    %add3A_396 = vector.broadcast %add3A_395 : i32 to vector<16xi32>
    %add3A_397 = arith.addi %mul3A_394, %add3A_396 : vector<16xi32>
    %gather3A_398 = tpu.vector_load_idx %arg5[%add3A_397] : memref<25600xi32, #tpu.memory_space<vmem>>[vector<16xi32>], vector<16xi32>,
    %swap3A_399 = arith.constant 0 : index
    %swap3A_400 = tpu.vector_load %arg7[%swap3A_399] {strides = array<i32>} : memref<512xi32, #tpu.memory_space<vmem>>, vector<16xi32>,
    tpu.vector_store %arg7[%swap3A_399], %gather3A_398 {strides = array<i32>} : memref<512xi32, #tpu.memory_space<vmem>>, vector<16xi32>,
    %add3A_401 = arith.constant 16 : i32
    %add3A_402 = vector.broadcast %add3A_401 : i32 to vector<16xi32>
    %add3A_403 = arith.addi %iota3A, %add3A_402 : vector<16xi32>
    %mul3A_404 = arith.constant 50 : i32
    %mul3A_405 = vector.broadcast %mul3A_404 : i32 to vector<16xi32>
    %mul3A_406 = arith.muli %add3A_403, %mul3A_405 : vector<16xi32>
    %add3A_407 = arith.constant 1 : i32
    %add3A_408 = vector.broadcast %add3A_407 : i32 to vector<16xi32>
    %add3A_409 = arith.addi %mul3A_406, %add3A_408 : vector<16xi32>
    %gather3A_410 = tpu.vector_load_idx %arg5[%add3A_409] : memref<25600xi32, #tpu.memory_space<vmem>>[vector<16xi32>], vector<16xi32>,
    %swap3A_411 = arith.constant 16 : index
    %swap3A_412 = tpu.vector_load %arg7[%swap3A_411] {strides = array<i32>} : memref<512xi32, #tpu.memory_space<vmem>>, vector<16xi32>,
    tpu.vector_store %arg7[%swap3A_411], %gather3A_410 {strides = array<i32>} : memref<512xi32, #tpu.memory_space<vmem>>, vector<16xi32>,
    %add3A_413 = arith.constant 32 : i32
    %add3A_414 = vector.broadcast %add3A_413 : i32 to vector<16xi32>
    %add3A_415 = arith.addi %iota3A, %add3A_414 : vector<16xi32>
    %mul3A_416 = arith.constant 50 : i32
    %mul3A_417 = vector.broadcast %mul3A_416 : i32 to vector<16xi32>
    %mul3A_418 = arith.muli %add3A_415, %mul3A_417 : vector<16xi32>
    %add3A_419 = arith.constant 1 : i32
    %add3A_420 = vector.broadcast %add3A_419 : i32 to vector<16xi32>
    %add3A_421 = arith.addi %mul3A_418, %add3A_420 : vector<16xi32>
    %gather3A_422 = tpu.vector_load_idx %arg5[%add3A_421] : memref<25600xi32, #tpu.memory_space<vmem>>[vector<16xi32>], vector<16xi32>,
    %swap3A_423 = arith.constant 32 : index
    %swap3A_424 = tpu.vector_load %arg7[%swap3A_423] {strides = array<i32>} : memref<512xi32, #tpu.memory_space<vmem>>, vector<16xi32>,
    tpu.vector_store %arg7[%swap3A_423], %gather3A_422 {strides = array<i32>} : memref<512xi32, #tpu.memory_space<vmem>>, vector<16xi32>,
    %add3A_425 = arith.constant 48 : i32
    %add3A_426 = vector.broadcast %add3A_425 : i32 to vector<16xi32>
    %add3A_427 = arith.addi %iota3A, %add3A_426 : vector<16xi32>
    %mul3A_428 = arith.constant 50 : i32
    %mul3A_429 = vector.broadcast %mul3A_428 : i32 to vector<16xi32>
    %mul3A_430 = arith.muli %add3A_427, %mul3A_429 : vector<16xi32>
    %add3A_431 = arith.constant 1 : i32
    %add3A_432 = vector.broadcast %add3A_431 : i32 to vector<16xi32>
    %add3A_433 = arith.addi %mul3A_430, %add3A_432 : vector<16xi32>
    %gather3A_434 = tpu.vector_load_idx %arg5[%add3A_433] : memref<25600xi32, #tpu.memory_space<vmem>>[vector<16xi32>], vector<16xi32>,
    %swap3A_435 = arith.constant 48 : index
    %swap3A_436 = tpu.vector_load %arg7[%swap3A_435] {strides = array<i32>} : memref<512xi32, #tpu.memory_space<vmem>>, vector<16xi32>,
    tpu.vector_store %arg7[%swap3A_435], %gather3A_434 {strides = array<i32>} : memref<512xi32, #tpu.memory_space<vmem>>, vector<16xi32>,
    %add3A_437 = arith.constant 64 : i32
    %add3A_438 = vector.broadcast %add3A_437 : i32 to vector<16xi32>
    %add3A_439 = arith.addi %iota3A, %add3A_438 : vector<16xi32>
    %mul3A_440 = arith.constant 50 : i32
    %mul3A_441 = vector.broadcast %mul3A_440 : i32 to vector<16xi32>
    %mul3A_442 = arith.muli %add3A_439, %mul3A_441 : vector<16xi32>
    %add3A_443 = arith.constant 1 : i32
    %add3A_444 = vector.broadcast %add3A_443 : i32 to vector<16xi32>
    %add3A_445 = arith.addi %mul3A_442, %add3A_444 : vector<16xi32>
    %gather3A_446 = tpu.vector_load_idx %arg5[%add3A_445] : memref<25600xi32, #tpu.memory_space<vmem>>[vector<16xi32>], vector<16xi32>,
    %swap3A_447 = arith.constant 64 : index
    %swap3A_448 = tpu.vector_load %arg7[%swap3A_447] {strides = array<i32>} : memref<512xi32, #tpu.memory_space<vmem>>, vector<16xi32>,
    tpu.vector_store %arg7[%swap3A_447], %gather3A_446 {strides = array<i32>} : memref<512xi32, #tpu.memory_space<vmem>>, vector<16xi32>,
    %add3A_449 = arith.constant 80 : i32
    %add3A_450 = vector.broadcast %add3A_449 : i32 to vector<16xi32>
    %add3A_451 = arith.addi %iota3A, %add3A_450 : vector<16xi32>
    %mul3A_452 = arith.constant 50 : i32
    %mul3A_453 = vector.broadcast %mul3A_452 : i32 to vector<16xi32>
    %mul3A_454 = arith.muli %add3A_451, %mul3A_453 : vector<16xi32>
    %add3A_455 = arith.constant 1 : i32
    %add3A_456 = vector.broadcast %add3A_455 : i32 to vector<16xi32>
    %add3A_457 = arith.addi %mul3A_454, %add3A_456 : vector<16xi32>
    %gather3A_458 = tpu.vector_load_idx %arg5[%add3A_457] : memref<25600xi32, #tpu.memory_space<vmem>>[vector<16xi32>], vector<16xi32>,
    %swap3A_459 = arith.constant 80 : index
    %swap3A_460 = tpu.vector_load %arg7[%swap3A_459] {strides = array<i32>} : memref<512xi32, #tpu.memory_space<vmem>>, vector<16xi32>,
    tpu.vector_store %arg7[%swap3A_459], %gather3A_458 {strides = array<i32>} : memref<512xi32, #tpu.memory_space<vmem>>, vector<16xi32>,
    %add3A_461 = arith.constant 96 : i32
    %add3A_462 = vector.broadcast %add3A_461 : i32 to vector<16xi32>
    %add3A_463 = arith.addi %iota3A, %add3A_462 : vector<16xi32>
    %mul3A_464 = arith.constant 50 : i32
    %mul3A_465 = vector.broadcast %mul3A_464 : i32 to vector<16xi32>
    %mul3A_466 = arith.muli %add3A_463, %mul3A_465 : vector<16xi32>
    %add3A_467 = arith.constant 1 : i32
    %add3A_468 = vector.broadcast %add3A_467 : i32 to vector<16xi32>
    %add3A_469 = arith.addi %mul3A_466, %add3A_468 : vector<16xi32>
    %gather3A_470 = tpu.vector_load_idx %arg5[%add3A_469] : memref<25600xi32, #tpu.memory_space<vmem>>[vector<16xi32>], vector<16xi32>,
    %swap3A_471 = arith.constant 96 : index
    %swap3A_472 = tpu.vector_load %arg7[%swap3A_471] {strides = array<i32>} : memref<512xi32, #tpu.memory_space<vmem>>, vector<16xi32>,
    tpu.vector_store %arg7[%swap3A_471], %gather3A_470 {strides = array<i32>} : memref<512xi32, #tpu.memory_space<vmem>>, vector<16xi32>,
    %add3A_473 = arith.constant 112 : i32
    %add3A_474 = vector.broadcast %add3A_473 : i32 to vector<16xi32>
    %add3A_475 = arith.addi %iota3A, %add3A_474 : vector<16xi32>
    %mul3A_476 = arith.constant 50 : i32
    %mul3A_477 = vector.broadcast %mul3A_476 : i32 to vector<16xi32>
    %mul3A_478 = arith.muli %add3A_475, %mul3A_477 : vector<16xi32>
    %add3A_479 = arith.constant 1 : i32
    %add3A_480 = vector.broadcast %add3A_479 : i32 to vector<16xi32>
    %add3A_481 = arith.addi %mul3A_478, %add3A_480 : vector<16xi32>
    %gather3A_482 = tpu.vector_load_idx %arg5[%add3A_481] : memref<25600xi32, #tpu.memory_space<vmem>>[vector<16xi32>], vector<16xi32>,
    %swap3A_483 = arith.constant 112 : index
    %swap3A_484 = tpu.vector_load %arg7[%swap3A_483] {strides = array<i32>} : memref<512xi32, #tpu.memory_space<vmem>>, vector<16xi32>,
    tpu.vector_store %arg7[%swap3A_483], %gather3A_482 {strides = array<i32>} : memref<512xi32, #tpu.memory_space<vmem>>, vector<16xi32>,
    %add3A_485 = arith.constant 128 : i32
    %add3A_486 = vector.broadcast %add3A_485 : i32 to vector<16xi32>
    %add3A_487 = arith.addi %iota3A, %add3A_486 : vector<16xi32>
    %mul3A_488 = arith.constant 50 : i32
    %mul3A_489 = vector.broadcast %mul3A_488 : i32 to vector<16xi32>
    %mul3A_490 = arith.muli %add3A_487, %mul3A_489 : vector<16xi32>
    %add3A_491 = arith.constant 1 : i32
    %add3A_492 = vector.broadcast %add3A_491 : i32 to vector<16xi32>
    %add3A_493 = arith.addi %mul3A_490, %add3A_492 : vector<16xi32>
    %gather3A_494 = tpu.vector_load_idx %arg5[%add3A_493] : memref<25600xi32, #tpu.memory_space<vmem>>[vector<16xi32>], vector<16xi32>,
    %swap3A_495 = arith.constant 128 : index
    %swap3A_496 = tpu.vector_load %arg7[%swap3A_495] {strides = array<i32>} : memref<512xi32, #tpu.memory_space<vmem>>, vector<16xi32>,
    tpu.vector_store %arg7[%swap3A_495], %gather3A_494 {strides = array<i32>} : memref<512xi32, #tpu.memory_space<vmem>>, vector<16xi32>,
    %add3A_497 = arith.constant 144 : i32
    %add3A_498 = vector.broadcast %add3A_497 : i32 to vector<16xi32>
    %add3A_499 = arith.addi %iota3A, %add3A_498 : vector<16xi32>
    %mul3A_500 = arith.constant 50 : i32
    %mul3A_501 = vector.broadcast %mul3A_500 : i32 to vector<16xi32>
    %mul3A_502 = arith.muli %add3A_499, %mul3A_501 : vector<16xi32>
    %add3A_503 = arith.constant 1 : i32
    %add3A_504 = vector.broadcast %add3A_503 : i32 to vector<16xi32>
    %add3A_505 = arith.addi %mul3A_502, %add3A_504 : vector<16xi32>
    %gather3A_506 = tpu.vector_load_idx %arg5[%add3A_505] : memref<25600xi32, #tpu.memory_space<vmem>>[vector<16xi32>], vector<16xi32>,
    %swap3A_507 = arith.constant 144 : index
    %swap3A_508 = tpu.vector_load %arg7[%swap3A_507] {strides = array<i32>} : memref<512xi32, #tpu.memory_space<vmem>>, vector<16xi32>,
    tpu.vector_store %arg7[%swap3A_507], %gather3A_506 {strides = array<i32>} : memref<512xi32, #tpu.memory_space<vmem>>, vector<16xi32>,
    %add3A_509 = arith.constant 160 : i32
    %add3A_510 = vector.broadcast %add3A_509 : i32 to vector<16xi32>
    %add3A_511 = arith.addi %iota3A, %add3A_510 : vector<16xi32>
    %mul3A_512 = arith.constant 50 : i32
    %mul3A_513 = vector.broadcast %mul3A_512 : i32 to vector<16xi32>
    %mul3A_514 = arith.muli %add3A_511, %mul3A_513 : vector<16xi32>
    %add3A_515 = arith.constant 1 : i32
    %add3A_516 = vector.broadcast %add3A_515 : i32 to vector<16xi32>
    %add3A_517 = arith.addi %mul3A_514, %add3A_516 : vector<16xi32>
    %gather3A_518 = tpu.vector_load_idx %arg5[%add3A_517] : memref<25600xi32, #tpu.memory_space<vmem>>[vector<16xi32>], vector<16xi32>,
    %swap3A_519 = arith.constant 160 : index
    %swap3A_520 = tpu.vector_load %arg7[%swap3A_519] {strides = array<i32>} : memref<512xi32, #tpu.memory_space<vmem>>, vector<16xi32>,
    tpu.vector_store %arg7[%swap3A_519], %gather3A_518 {strides = array<i32>} : memref<512xi32, #tpu.memory_space<vmem>>, vector<16xi32>,
    %add3A_521 = arith.constant 176 : i32
    %add3A_522 = vector.broadcast %add3A_521 : i32 to vector<16xi32>
    %add3A_523 = arith.addi %iota3A, %add3A_522 : vector<16xi32>
    %mul3A_524 = arith.constant 50 : i32
    %mul3A_525 = vector.broadcast %mul3A_524 : i32 to vector<16xi32>
    %mul3A_526 = arith.muli %add3A_523, %mul3A_525 : vector<16xi32>
    %add3A_527 = arith.constant 1 : i32
    %add3A_528 = vector.broadcast %add3A_527 : i32 to vector<16xi32>
    %add3A_529 = arith.addi %mul3A_526, %add3A_528 : vector<16xi32>
    %gather3A_530 = tpu.vector_load_idx %arg5[%add3A_529] : memref<25600xi32, #tpu.memory_space<vmem>>[vector<16xi32>], vector<16xi32>,
    %swap3A_531 = arith.constant 176 : index
    %swap3A_532 = tpu.vector_load %arg7[%swap3A_531] {strides = array<i32>} : memref<512xi32, #tpu.memory_space<vmem>>, vector<16xi32>,
    tpu.vector_store %arg7[%swap3A_531], %gather3A_530 {strides = array<i32>} : memref<512xi32, #tpu.memory_space<vmem>>, vector<16xi32>,
    %add3A_533 = arith.constant 192 : i32
    %add3A_534 = vector.broadcast %add3A_533 : i32 to vector<16xi32>
    %add3A_535 = arith.addi %iota3A, %add3A_534 : vector<16xi32>
    %mul3A_536 = arith.constant 50 : i32
    %mul3A_537 = vector.broadcast %mul3A_536 : i32 to vector<16xi32>
    %mul3A_538 = arith.muli %add3A_535, %mul3A_537 : vector<16xi32>
    %add3A_539 = arith.constant 1 : i32
    %add3A_540 = vector.broadcast %add3A_539 : i32 to vector<16xi32>
    %add3A_541 = arith.addi %mul3A_538, %add3A_540 : vector<16xi32>
    %gather3A_542 = tpu.vector_load_idx %arg5[%add3A_541] : memref<25600xi32, #tpu.memory_space<vmem>>[vector<16xi32>], vector<16xi32>,
    %swap3A_543 = arith.constant 192 : index
    %swap3A_544 = tpu.vector_load %arg7[%swap3A_543] {strides = array<i32>} : memref<512xi32, #tpu.memory_space<vmem>>, vector<16xi32>,
    tpu.vector_store %arg7[%swap3A_543], %gather3A_542 {strides = array<i32>} : memref<512xi32, #tpu.memory_space<vmem>>, vector<16xi32>,
    %add3A_545 = arith.constant 208 : i32
    %add3A_546 = vector.broadcast %add3A_545 : i32 to vector<16xi32>
    %add3A_547 = arith.addi %iota3A, %add3A_546 : vector<16xi32>
    %mul3A_548 = arith.constant 50 : i32
    %mul3A_549 = vector.broadcast %mul3A_548 : i32 to vector<16xi32>
    %mul3A_550 = arith.muli %add3A_547, %mul3A_549 : vector<16xi32>
    %add3A_551 = arith.constant 1 : i32
    %add3A_552 = vector.broadcast %add3A_551 : i32 to vector<16xi32>
    %add3A_553 = arith.addi %mul3A_550, %add3A_552 : vector<16xi32>
    %gather3A_554 = tpu.vector_load_idx %arg5[%add3A_553] : memref<25600xi32, #tpu.memory_space<vmem>>[vector<16xi32>], vector<16xi32>,
    %swap3A_555 = arith.constant 208 : index
    %swap3A_556 = tpu.vector_load %arg7[%swap3A_555] {strides = array<i32>} : memref<512xi32, #tpu.memory_space<vmem>>, vector<16xi32>,
    tpu.vector_store %arg7[%swap3A_555], %gather3A_554 {strides = array<i32>} : memref<512xi32, #tpu.memory_space<vmem>>, vector<16xi32>,
    %add3A_557 = arith.constant 224 : i32
    %add3A_558 = vector.broadcast %add3A_557 : i32 to vector<16xi32>
    %add3A_559 = arith.addi %iota3A, %add3A_558 : vector<16xi32>
    %mul3A_560 = arith.constant 50 : i32
    %mul3A_561 = vector.broadcast %mul3A_560 : i32 to vector<16xi32>
    %mul3A_562 = arith.muli %add3A_559, %mul3A_561 : vector<16xi32>
    %add3A_563 = arith.constant 1 : i32
    %add3A_564 = vector.broadcast %add3A_563 : i32 to vector<16xi32>
    %add3A_565 = arith.addi %mul3A_562, %add3A_564 : vector<16xi32>
    %gather3A_566 = tpu.vector_load_idx %arg5[%add3A_565] : memref<25600xi32, #tpu.memory_space<vmem>>[vector<16xi32>], vector<16xi32>,
    %swap3A_567 = arith.constant 224 : index
    %swap3A_568 = tpu.vector_load %arg7[%swap3A_567] {strides = array<i32>} : memref<512xi32, #tpu.memory_space<vmem>>, vector<16xi32>,
    tpu.vector_store %arg7[%swap3A_567], %gather3A_566 {strides = array<i32>} : memref<512xi32, #tpu.memory_space<vmem>>, vector<16xi32>,
    %add3A_569 = arith.constant 240 : i32
    %add3A_570 = vector.broadcast %add3A_569 : i32 to vector<16xi32>
    %add3A_571 = arith.addi %iota3A, %add3A_570 : vector<16xi32>
    %mul3A_572 = arith.constant 50 : i32
    %mul3A_573 = vector.broadcast %mul3A_572 : i32 to vector<16xi32>
    %mul3A_574 = arith.muli %add3A_571, %mul3A_573 : vector<16xi32>
    %add3A_575 = arith.constant 1 : i32
    %add3A_576 = vector.broadcast %add3A_575 : i32 to vector<16xi32>
    %add3A_577 = arith.addi %mul3A_574, %add3A_576 : vector<16xi32>
    %gather3A_578 = tpu.vector_load_idx %arg5[%add3A_577] : memref<25600xi32, #tpu.memory_space<vmem>>[vector<16xi32>], vector<16xi32>,
    %swap3A_579 = arith.constant 240 : index
    %swap3A_580 = tpu.vector_load %arg7[%swap3A_579] {strides = array<i32>} : memref<512xi32, #tpu.memory_space<vmem>>, vector<16xi32>,
    tpu.vector_store %arg7[%swap3A_579], %gather3A_578 {strides = array<i32>} : memref<512xi32, #tpu.memory_space<vmem>>, vector<16xi32>,
    %add3A_581 = arith.constant 256 : i32
    %add3A_582 = vector.broadcast %add3A_581 : i32 to vector<16xi32>
    %add3A_583 = arith.addi %iota3A, %add3A_582 : vector<16xi32>
    %mul3A_584 = arith.constant 50 : i32
    %mul3A_585 = vector.broadcast %mul3A_584 : i32 to vector<16xi32>
    %mul3A_586 = arith.muli %add3A_583, %mul3A_585 : vector<16xi32>
    %add3A_587 = arith.constant 1 : i32
    %add3A_588 = vector.broadcast %add3A_587 : i32 to vector<16xi32>
    %add3A_589 = arith.addi %mul3A_586, %add3A_588 : vector<16xi32>
    %gather3A_590 = tpu.vector_load_idx %arg5[%add3A_589] : memref<25600xi32, #tpu.memory_space<vmem>>[vector<16xi32>], vector<16xi32>,
    %swap3A_591 = arith.constant 256 : index
    %swap3A_592 = tpu.vector_load %arg7[%swap3A_591] {strides = array<i32>} : memref<512xi32, #tpu.memory_space<vmem>>, vector<16xi32>,
    tpu.vector_store %arg7[%swap3A_591], %gather3A_590 {strides = array<i32>} : memref<512xi32, #tpu.memory_space<vmem>>, vector<16xi32>,
    %add3A_593 = arith.constant 272 : i32
    %add3A_594 = vector.broadcast %add3A_593 : i32 to vector<16xi32>
    %add3A_595 = arith.addi %iota3A, %add3A_594 : vector<16xi32>
    %mul3A_596 = arith.constant 50 : i32
    %mul3A_597 = vector.broadcast %mul3A_596 : i32 to vector<16xi32>
    %mul3A_598 = arith.muli %add3A_595, %mul3A_597 : vector<16xi32>
    %add3A_599 = arith.constant 1 : i32
    %add3A_600 = vector.broadcast %add3A_599 : i32 to vector<16xi32>
    %add3A_601 = arith.addi %mul3A_598, %add3A_600 : vector<16xi32>
    %gather3A_602 = tpu.vector_load_idx %arg5[%add3A_601] : memref<25600xi32, #tpu.memory_space<vmem>>[vector<16xi32>], vector<16xi32>,
    %swap3A_603 = arith.constant 272 : index
    %swap3A_604 = tpu.vector_load %arg7[%swap3A_603] {strides = array<i32>} : memref<512xi32, #tpu.memory_space<vmem>>, vector<16xi32>,
    tpu.vector_store %arg7[%swap3A_603], %gather3A_602 {strides = array<i32>} : memref<512xi32, #tpu.memory_space<vmem>>, vector<16xi32>,
    %add3A_605 = arith.constant 288 : i32
    %add3A_606 = vector.broadcast %add3A_605 : i32 to vector<16xi32>
    %add3A_607 = arith.addi %iota3A, %add3A_606 : vector<16xi32>
    %mul3A_608 = arith.constant 50 : i32
    %mul3A_609 = vector.broadcast %mul3A_608 : i32 to vector<16xi32>
    %mul3A_610 = arith.muli %add3A_607, %mul3A_609 : vector<16xi32>
    %add3A_611 = arith.constant 1 : i32
    %add3A_612 = vector.broadcast %add3A_611 : i32 to vector<16xi32>
    %add3A_613 = arith.addi %mul3A_610, %add3A_612 : vector<16xi32>
    %gather3A_614 = tpu.vector_load_idx %arg5[%add3A_613] : memref<25600xi32, #tpu.memory_space<vmem>>[vector<16xi32>], vector<16xi32>,
    %swap3A_615 = arith.constant 288 : index
    %swap3A_616 = tpu.vector_load %arg7[%swap3A_615] {strides = array<i32>} : memref<512xi32, #tpu.memory_space<vmem>>, vector<16xi32>,
    tpu.vector_store %arg7[%swap3A_615], %gather3A_614 {strides = array<i32>} : memref<512xi32, #tpu.memory_space<vmem>>, vector<16xi32>,
    %add3A_617 = arith.constant 304 : i32
    %add3A_618 = vector.broadcast %add3A_617 : i32 to vector<16xi32>
    %add3A_619 = arith.addi %iota3A, %add3A_618 : vector<16xi32>
    %mul3A_620 = arith.constant 50 : i32
    %mul3A_621 = vector.broadcast %mul3A_620 : i32 to vector<16xi32>
    %mul3A_622 = arith.muli %add3A_619, %mul3A_621 : vector<16xi32>
    %add3A_623 = arith.constant 1 : i32
    %add3A_624 = vector.broadcast %add3A_623 : i32 to vector<16xi32>
    %add3A_625 = arith.addi %mul3A_622, %add3A_624 : vector<16xi32>
    %gather3A_626 = tpu.vector_load_idx %arg5[%add3A_625] : memref<25600xi32, #tpu.memory_space<vmem>>[vector<16xi32>], vector<16xi32>,
    %swap3A_627 = arith.constant 304 : index
    %swap3A_628 = tpu.vector_load %arg7[%swap3A_627] {strides = array<i32>} : memref<512xi32, #tpu.memory_space<vmem>>, vector<16xi32>,
    tpu.vector_store %arg7[%swap3A_627], %gather3A_626 {strides = array<i32>} : memref<512xi32, #tpu.memory_space<vmem>>, vector<16xi32>,
    %add3A_629 = arith.constant 320 : i32
    %add3A_630 = vector.broadcast %add3A_629 : i32 to vector<16xi32>
    %add3A_631 = arith.addi %iota3A, %add3A_630 : vector<16xi32>
    %mul3A_632 = arith.constant 50 : i32
    %mul3A_633 = vector.broadcast %mul3A_632 : i32 to vector<16xi32>
    %mul3A_634 = arith.muli %add3A_631, %mul3A_633 : vector<16xi32>
    %add3A_635 = arith.constant 1 : i32
    %add3A_636 = vector.broadcast %add3A_635 : i32 to vector<16xi32>
    %add3A_637 = arith.addi %mul3A_634, %add3A_636 : vector<16xi32>
    %gather3A_638 = tpu.vector_load_idx %arg5[%add3A_637] : memref<25600xi32, #tpu.memory_space<vmem>>[vector<16xi32>], vector<16xi32>,
    %swap3A_639 = arith.constant 320 : index
    %swap3A_640 = tpu.vector_load %arg7[%swap3A_639] {strides = array<i32>} : memref<512xi32, #tpu.memory_space<vmem>>, vector<16xi32>,
    tpu.vector_store %arg7[%swap3A_639], %gather3A_638 {strides = array<i32>} : memref<512xi32, #tpu.memory_space<vmem>>, vector<16xi32>,
    %add3A_641 = arith.constant 336 : i32
    %add3A_642 = vector.broadcast %add3A_641 : i32 to vector<16xi32>
    %add3A_643 = arith.addi %iota3A, %add3A_642 : vector<16xi32>
    %mul3A_644 = arith.constant 50 : i32
    %mul3A_645 = vector.broadcast %mul3A_644 : i32 to vector<16xi32>
    %mul3A_646 = arith.muli %add3A_643, %mul3A_645 : vector<16xi32>
    %add3A_647 = arith.constant 1 : i32
    %add3A_648 = vector.broadcast %add3A_647 : i32 to vector<16xi32>
    %add3A_649 = arith.addi %mul3A_646, %add3A_648 : vector<16xi32>
    %gather3A_650 = tpu.vector_load_idx %arg5[%add3A_649] : memref<25600xi32, #tpu.memory_space<vmem>>[vector<16xi32>], vector<16xi32>,
    %swap3A_651 = arith.constant 336 : index
    %swap3A_652 = tpu.vector_load %arg7[%swap3A_651] {strides = array<i32>} : memref<512xi32, #tpu.memory_space<vmem>>, vector<16xi32>,
    tpu.vector_store %arg7[%swap3A_651], %gather3A_650 {strides = array<i32>} : memref<512xi32, #tpu.memory_space<vmem>>, vector<16xi32>,
    %add3A_653 = arith.constant 352 : i32
    %add3A_654 = vector.broadcast %add3A_653 : i32 to vector<16xi32>
    %add3A_655 = arith.addi %iota3A, %add3A_654 : vector<16xi32>
    %mul3A_656 = arith.constant 50 : i32
    %mul3A_657 = vector.broadcast %mul3A_656 : i32 to vector<16xi32>
    %mul3A_658 = arith.muli %add3A_655, %mul3A_657 : vector<16xi32>
    %add3A_659 = arith.constant 1 : i32
    %add3A_660 = vector.broadcast %add3A_659 : i32 to vector<16xi32>
    %add3A_661 = arith.addi %mul3A_658, %add3A_660 : vector<16xi32>
    %gather3A_662 = tpu.vector_load_idx %arg5[%add3A_661] : memref<25600xi32, #tpu.memory_space<vmem>>[vector<16xi32>], vector<16xi32>,
    %swap3A_663 = arith.constant 352 : index
    %swap3A_664 = tpu.vector_load %arg7[%swap3A_663] {strides = array<i32>} : memref<512xi32, #tpu.memory_space<vmem>>, vector<16xi32>,
    tpu.vector_store %arg7[%swap3A_663], %gather3A_662 {strides = array<i32>} : memref<512xi32, #tpu.memory_space<vmem>>, vector<16xi32>,
    %add3A_665 = arith.constant 368 : i32
    %add3A_666 = vector.broadcast %add3A_665 : i32 to vector<16xi32>
    %add3A_667 = arith.addi %iota3A, %add3A_666 : vector<16xi32>
    %mul3A_668 = arith.constant 50 : i32
    %mul3A_669 = vector.broadcast %mul3A_668 : i32 to vector<16xi32>
    %mul3A_670 = arith.muli %add3A_667, %mul3A_669 : vector<16xi32>
    %add3A_671 = arith.constant 1 : i32
    %add3A_672 = vector.broadcast %add3A_671 : i32 to vector<16xi32>
    %add3A_673 = arith.addi %mul3A_670, %add3A_672 : vector<16xi32>
    %gather3A_674 = tpu.vector_load_idx %arg5[%add3A_673] : memref<25600xi32, #tpu.memory_space<vmem>>[vector<16xi32>], vector<16xi32>,
    %swap3A_675 = arith.constant 368 : index
    %swap3A_676 = tpu.vector_load %arg7[%swap3A_675] {strides = array<i32>} : memref<512xi32, #tpu.memory_space<vmem>>, vector<16xi32>,
    tpu.vector_store %arg7[%swap3A_675], %gather3A_674 {strides = array<i32>} : memref<512xi32, #tpu.memory_space<vmem>>, vector<16xi32>,
    %add3A_677 = arith.constant 384 : i32
    %add3A_678 = vector.broadcast %add3A_677 : i32 to vector<16xi32>
    %add3A_679 = arith.addi %iota3A, %add3A_678 : vector<16xi32>
    %mul3A_680 = arith.constant 50 : i32
    %mul3A_681 = vector.broadcast %mul3A_680 : i32 to vector<16xi32>
    %mul3A_682 = arith.muli %add3A_679, %mul3A_681 : vector<16xi32>
    %add3A_683 = arith.constant 1 : i32
    %add3A_684 = vector.broadcast %add3A_683 : i32 to vector<16xi32>
    %add3A_685 = arith.addi %mul3A_682, %add3A_684 : vector<16xi32>
    %gather3A_686 = tpu.vector_load_idx %arg5[%add3A_685] : memref<25600xi32, #tpu.memory_space<vmem>>[vector<16xi32>], vector<16xi32>,
    %swap3A_687 = arith.constant 384 : index
    %swap3A_688 = tpu.vector_load %arg7[%swap3A_687] {strides = array<i32>} : memref<512xi32, #tpu.memory_space<vmem>>, vector<16xi32>,
    tpu.vector_store %arg7[%swap3A_687], %gather3A_686 {strides = array<i32>} : memref<512xi32, #tpu.memory_space<vmem>>, vector<16xi32>,
    %add3A_689 = arith.constant 400 : i32
    %add3A_690 = vector.broadcast %add3A_689 : i32 to vector<16xi32>
    %add3A_691 = arith.addi %iota3A, %add3A_690 : vector<16xi32>
    %mul3A_692 = arith.constant 50 : i32
    %mul3A_693 = vector.broadcast %mul3A_692 : i32 to vector<16xi32>
    %mul3A_694 = arith.muli %add3A_691, %mul3A_693 : vector<16xi32>
    %add3A_695 = arith.constant 1 : i32
    %add3A_696 = vector.broadcast %add3A_695 : i32 to vector<16xi32>
    %add3A_697 = arith.addi %mul3A_694, %add3A_696 : vector<16xi32>
    %gather3A_698 = tpu.vector_load_idx %arg5[%add3A_697] : memref<25600xi32, #tpu.memory_space<vmem>>[vector<16xi32>], vector<16xi32>,
    %swap3A_699 = arith.constant 400 : index
    %swap3A_700 = tpu.vector_load %arg7[%swap3A_699] {strides = array<i32>} : memref<512xi32, #tpu.memory_space<vmem>>, vector<16xi32>,
    tpu.vector_store %arg7[%swap3A_699], %gather3A_698 {strides = array<i32>} : memref<512xi32, #tpu.memory_space<vmem>>, vector<16xi32>,
    %add3A_701 = arith.constant 416 : i32
    %add3A_702 = vector.broadcast %add3A_701 : i32 to vector<16xi32>
    %add3A_703 = arith.addi %iota3A, %add3A_702 : vector<16xi32>
    %mul3A_704 = arith.constant 50 : i32
    %mul3A_705 = vector.broadcast %mul3A_704 : i32 to vector<16xi32>
    %mul3A_706 = arith.muli %add3A_703, %mul3A_705 : vector<16xi32>
    %add3A_707 = arith.constant 1 : i32
    %add3A_708 = vector.broadcast %add3A_707 : i32 to vector<16xi32>
    %add3A_709 = arith.addi %mul3A_706, %add3A_708 : vector<16xi32>
    %gather3A_710 = tpu.vector_load_idx %arg5[%add3A_709] : memref<25600xi32, #tpu.memory_space<vmem>>[vector<16xi32>], vector<16xi32>,
    %swap3A_711 = arith.constant 416 : index
    %swap3A_712 = tpu.vector_load %arg7[%swap3A_711] {strides = array<i32>} : memref<512xi32, #tpu.memory_space<vmem>>, vector<16xi32>,
    tpu.vector_store %arg7[%swap3A_711], %gather3A_710 {strides = array<i32>} : memref<512xi32, #tpu.memory_space<vmem>>, vector<16xi32>,
    %add3A_713 = arith.constant 432 : i32
    %add3A_714 = vector.broadcast %add3A_713 : i32 to vector<16xi32>
    %add3A_715 = arith.addi %iota3A, %add3A_714 : vector<16xi32>
    %mul3A_716 = arith.constant 50 : i32
    %mul3A_717 = vector.broadcast %mul3A_716 : i32 to vector<16xi32>
    %mul3A_718 = arith.muli %add3A_715, %mul3A_717 : vector<16xi32>
    %add3A_719 = arith.constant 1 : i32
    %add3A_720 = vector.broadcast %add3A_719 : i32 to vector<16xi32>
    %add3A_721 = arith.addi %mul3A_718, %add3A_720 : vector<16xi32>
    %gather3A_722 = tpu.vector_load_idx %arg5[%add3A_721] : memref<25600xi32, #tpu.memory_space<vmem>>[vector<16xi32>], vector<16xi32>,
    %swap3A_723 = arith.constant 432 : index
    %swap3A_724 = tpu.vector_load %arg7[%swap3A_723] {strides = array<i32>} : memref<512xi32, #tpu.memory_space<vmem>>, vector<16xi32>,
    tpu.vector_store %arg7[%swap3A_723], %gather3A_722 {strides = array<i32>} : memref<512xi32, #tpu.memory_space<vmem>>, vector<16xi32>,
    %add3A_725 = arith.constant 448 : i32
    %add3A_726 = vector.broadcast %add3A_725 : i32 to vector<16xi32>
    %add3A_727 = arith.addi %iota3A, %add3A_726 : vector<16xi32>
    %mul3A_728 = arith.constant 50 : i32
    %mul3A_729 = vector.broadcast %mul3A_728 : i32 to vector<16xi32>
    %mul3A_730 = arith.muli %add3A_727, %mul3A_729 : vector<16xi32>
    %add3A_731 = arith.constant 1 : i32
    %add3A_732 = vector.broadcast %add3A_731 : i32 to vector<16xi32>
    %add3A_733 = arith.addi %mul3A_730, %add3A_732 : vector<16xi32>
    %gather3A_734 = tpu.vector_load_idx %arg5[%add3A_733] : memref<25600xi32, #tpu.memory_space<vmem>>[vector<16xi32>], vector<16xi32>,
    %swap3A_735 = arith.constant 448 : index
    %swap3A_736 = tpu.vector_load %arg7[%swap3A_735] {strides = array<i32>} : memref<512xi32, #tpu.memory_space<vmem>>, vector<16xi32>,
    tpu.vector_store %arg7[%swap3A_735], %gather3A_734 {strides = array<i32>} : memref<512xi32, #tpu.memory_space<vmem>>, vector<16xi32>,
    %add3A_737 = arith.constant 464 : i32
    %add3A_738 = vector.broadcast %add3A_737 : i32 to vector<16xi32>
    %add3A_739 = arith.addi %iota3A, %add3A_738 : vector<16xi32>
    %mul3A_740 = arith.constant 50 : i32
    %mul3A_741 = vector.broadcast %mul3A_740 : i32 to vector<16xi32>
    %mul3A_742 = arith.muli %add3A_739, %mul3A_741 : vector<16xi32>
    %add3A_743 = arith.constant 1 : i32
    %add3A_744 = vector.broadcast %add3A_743 : i32 to vector<16xi32>
    %add3A_745 = arith.addi %mul3A_742, %add3A_744 : vector<16xi32>
    %gather3A_746 = tpu.vector_load_idx %arg5[%add3A_745] : memref<25600xi32, #tpu.memory_space<vmem>>[vector<16xi32>], vector<16xi32>,
    %swap3A_747 = arith.constant 464 : index
    %swap3A_748 = tpu.vector_load %arg7[%swap3A_747] {strides = array<i32>} : memref<512xi32, #tpu.memory_space<vmem>>, vector<16xi32>,
    tpu.vector_store %arg7[%swap3A_747], %gather3A_746 {strides = array<i32>} : memref<512xi32, #tpu.memory_space<vmem>>, vector<16xi32>,
    %add3A_749 = arith.constant 480 : i32
    %add3A_750 = vector.broadcast %add3A_749 : i32 to vector<16xi32>
    %add3A_751 = arith.addi %iota3A, %add3A_750 : vector<16xi32>
    %mul3A_752 = arith.constant 50 : i32
    %mul3A_753 = vector.broadcast %mul3A_752 : i32 to vector<16xi32>
    %mul3A_754 = arith.muli %add3A_751, %mul3A_753 : vector<16xi32>
    %add3A_755 = arith.constant 1 : i32
    %add3A_756 = vector.broadcast %add3A_755 : i32 to vector<16xi32>
    %add3A_757 = arith.addi %mul3A_754, %add3A_756 : vector<16xi32>
    %gather3A_758 = tpu.vector_load_idx %arg5[%add3A_757] : memref<25600xi32, #tpu.memory_space<vmem>>[vector<16xi32>], vector<16xi32>,
    %swap3A_759 = arith.constant 480 : index
    %swap3A_760 = tpu.vector_load %arg7[%swap3A_759] {strides = array<i32>} : memref<512xi32, #tpu.memory_space<vmem>>, vector<16xi32>,
    tpu.vector_store %arg7[%swap3A_759], %gather3A_758 {strides = array<i32>} : memref<512xi32, #tpu.memory_space<vmem>>, vector<16xi32>,
    %add3A_761 = arith.constant 496 : i32
    %add3A_762 = vector.broadcast %add3A_761 : i32 to vector<16xi32>
    %add3A_763 = arith.addi %iota3A, %add3A_762 : vector<16xi32>
    %mul3A_764 = arith.constant 50 : i32
    %mul3A_765 = vector.broadcast %mul3A_764 : i32 to vector<16xi32>
    %mul3A_766 = arith.muli %add3A_763, %mul3A_765 : vector<16xi32>
    %add3A_767 = arith.constant 1 : i32
    %add3A_768 = vector.broadcast %add3A_767 : i32 to vector<16xi32>
    %add3A_769 = arith.addi %mul3A_766, %add3A_768 : vector<16xi32>
    %gather3A_770 = tpu.vector_load_idx %arg5[%add3A_769] : memref<25600xi32, #tpu.memory_space<vmem>>[vector<16xi32>], vector<16xi32>,
    %swap3A_771 = arith.constant 496 : index
    %swap3A_772 = tpu.vector_load %arg7[%swap3A_771] {strides = array<i32>} : memref<512xi32, #tpu.memory_space<vmem>>, vector<16xi32>,
    tpu.vector_store %arg7[%swap3A_771], %gather3A_770 {strides = array<i32>} : memref<512xi32, #tpu.memory_space<vmem>>, vector<16xi32>,
    %dma_start3A_773 = arith.constant 0 : i32
    %dma_start3A_774 = arith.constant 0 : i32
    %dma_start3A_775 = tpu.memref_slice %arg3[%dma_start3A_773, %dma_start3A_774] : memref<1000000x32xf32, #tpu.memory_space<hbm>> -> memref<1000000x32xf32, #tpu.memory_space<hbm>>
    tpu.enqueue_indirect_dma source(%dma_start3A_775 : memref<1000000x32xf32, #tpu.memory_space<hbm>>) target(%arg9 : memref<512x32xf32, #tpu.memory_space<vmem>>) offsets(%arg7 : memref<512xi32, #tpu.memory_space<vmem>>) semaphore(%arg13 : memref<!tpu.dma_semaphore, #tpu.memory_space<semaphore_mem>>)
    %scan3A = arith.constant 0 : i32
    %scan3A_776 = arith.constant 0 : i32
    %scan3A_777 = arith.constant 25 : i32
    %scan3A_778 = arith.addi %scan3A_776, %scan3A_777 : i32
    %scan3A_779 = arith.constant 1 : i32
    scf.for %scan3A_794 = %scan3A_776 to %scan3A_778 step %scan3A_779  : i32 {
      %mul3A_795 = arith.constant 2 : i32
      %mul3A_796 = arith.muli %scan3A_794, %mul3A_795 : i32
      %add3A_797 = arith.constant 0 : i32
      %add3A_798 = arith.addi %mul3A_796, %add3A_797 : i32
      %dma_wait3A_799 = arith.constant 0 : i32
      %dma_wait3A_800 = arith.constant 0 : i32
      %dma_wait3A_801 = tpu.memref_slice %arg3[%dma_wait3A_799, %dma_wait3A_800] : memref<1000000x32xf32, #tpu.memory_space<hbm>> -> memref<1000000x32xf32, #tpu.memory_space<hbm>>
      tpu.wait_indirect_dma semaphore(%arg12 : memref<!tpu.dma_semaphore, #tpu.memory_space<semaphore_mem>>) src(%dma_wait3A_801 : memref<1000000x32xf32, #tpu.memory_space<hbm>>) dst(%arg8 : memref<512x32xf32, #tpu.memory_space<vmem>>)
      %ge3A = arith.constant 1 : i32
      %ge3A_802 = arith.cmpi sge, %scan3A_794, %ge3A : i32
      %convert_element_type3A = arith.extui %ge3A_802 : i1 to i32
      %cond3A = arith.constant 0 : i32
      %cond3A_803 = arith.cmpi ne, %convert_element_type3A, %cond3A : i32
      scf.if %cond3A_803 {
        %sub3A = arith.constant 2 : i32
        %sub3A_849 = arith.subi %add3A_798, %sub3A : i32
        %dma_wait3A_850 = arith.constant 0 : i32
        %dma_wait3A_851 = tpu.memref_slice %arg4[%sub3A_849, %dma_wait3A_850, %mul3A_2] : memref<50x32x16384xf32, #tpu.memory_space<hbm>> -> memref<1x32x512xf32, #tpu.memory_space<hbm>>
        %dma_wait3A_852 = tpu.memref_squeeze %dma_wait3A_851 : memref<1x32x512xf32, #tpu.memory_space<hbm>> -> memref<32x512xf32, #tpu.memory_space<hbm>>
        %dma_wait3A_853 = arith.constant 0 : i32
        %dma_wait3A_854 = tpu.memref_slice %arg4[%sub3A_849, %dma_wait3A_853, %mul3A_2] : memref<50x32x16384xf32, #tpu.memory_space<hbm>> -> memref<1x32x512xf32, #tpu.memory_space<hbm>>
        %dma_wait3A_855 = tpu.memref_squeeze %dma_wait3A_854 : memref<1x32x512xf32, #tpu.memory_space<hbm>> -> memref<32x512xf32, #tpu.memory_space<hbm>>
        tpu.wait_dma2 semaphore(%arg14 : memref<!tpu.dma_semaphore, #tpu.memory_space<semaphore_mem>>) src(%arg10 : memref<32x512xf32, #tpu.memory_space<vmem>>) dst(%dma_wait3A_855 : memref<32x512xf32, #tpu.memory_space<hbm>>)
      } else {
      }
      %scan3A_804 = arith.constant 0 : i32
      %scan3A_805 = arith.constant 0 : i32
      %scan3A_806 = arith.constant 128 : i32
      %scan3A_807 = arith.addi %scan3A_805, %scan3A_806 : i32
      %scan3A_808 = arith.constant 1 : i32
      scf.for %scan3A_849 = %scan3A_805 to %scan3A_807 step %scan3A_808  : i32 {
        %mul3A_850 = arith.constant 4 : i32
        %mul3A_851 = arith.muli %scan3A_849, %mul3A_850 : i32
        %add3A_852 = arith.constant 0 : i32
        %add3A_853 = arith.addi %mul3A_851, %add3A_852 : i32
        %get3A = arith.index_cast %add3A_853 : i32 to index
        %get3A_854 = arith.constant 0 : index
        %get3A_855 = tpu.vector_load %arg8[%get3A, %get3A_854] {strides = array<i32>} : memref<512x32xf32, #tpu.memory_space<vmem>>, vector<16xf32>,
        %get3A_856 = arith.index_cast %add3A_853 : i32 to index
        %get3A_857 = arith.constant 16 : index
        %get3A_858 = tpu.vector_load %arg8[%get3A_856, %get3A_857] {strides = array<i32>} : memref<512x32xf32, #tpu.memory_space<vmem>>, vector<16xf32>,
        %broadcast_in_dim3A = arith.constant 0 : i32
        %broadcast_in_dim3A_859 = vector.broadcast %broadcast_in_dim3A : i32 to vector<16xi32>
        %add3A_860 = vector.broadcast %add3A_853 : i32 to vector<16xi32>
        %add3A_861 = arith.addi %broadcast_in_dim3A_859, %add3A_860 : vector<16xi32>
        tpu.vector_store_idx %arg10[%iota3A, %add3A_861], %get3A_855 : memref<32x512xf32, #tpu.memory_space<vmem>>[vector<16xi32>, vector<16xi32>], vector<16xf32>,
        %add3A_862 = arith.constant 16 : i32
        %add3A_863 = vector.broadcast %add3A_862 : i32 to vector<16xi32>
        %add3A_864 = arith.addi %iota3A, %add3A_863 : vector<16xi32>
        tpu.vector_store_idx %arg10[%add3A_864, %add3A_861], %get3A_858 : memref<32x512xf32, #tpu.memory_space<vmem>>[vector<16xi32>, vector<16xi32>], vector<16xf32>,
        %mul3A_865 = arith.constant 4 : i32
        %mul3A_866 = arith.muli %scan3A_849, %mul3A_865 : i32
        %add3A_867 = arith.constant 1 : i32
        %add3A_868 = arith.addi %mul3A_866, %add3A_867 : i32
        %get3A_869 = arith.index_cast %add3A_868 : i32 to index
        %get3A_870 = arith.constant 0 : index
        %get3A_871 = tpu.vector_load %arg8[%get3A_869, %get3A_870] {strides = array<i32>} : memref<512x32xf32, #tpu.memory_space<vmem>>, vector<16xf32>,
        %get3A_872 = arith.index_cast %add3A_868 : i32 to index
        %get3A_873 = arith.constant 16 : index
        %get3A_874 = tpu.vector_load %arg8[%get3A_872, %get3A_873] {strides = array<i32>} : memref<512x32xf32, #tpu.memory_space<vmem>>, vector<16xf32>,
        %broadcast_in_dim3A_875 = arith.constant 0 : i32
        %broadcast_in_dim3A_876 = vector.broadcast %broadcast_in_dim3A_875 : i32 to vector<16xi32>
        %add3A_877 = vector.broadcast %add3A_868 : i32 to vector<16xi32>
        %add3A_878 = arith.addi %broadcast_in_dim3A_876, %add3A_877 : vector<16xi32>
        tpu.vector_store_idx %arg10[%iota3A, %add3A_878], %get3A_871 : memref<32x512xf32, #tpu.memory_space<vmem>>[vector<16xi32>, vector<16xi32>], vector<16xf32>,
        %add3A_879 = arith.constant 16 : i32
        %add3A_880 = vector.broadcast %add3A_879 : i32 to vector<16xi32>
        %add3A_881 = arith.addi %iota3A, %add3A_880 : vector<16xi32>
        tpu.vector_store_idx %arg10[%add3A_881, %add3A_878], %get3A_874 : memref<32x512xf32, #tpu.memory_space<vmem>>[vector<16xi32>, vector<16xi32>], vector<16xf32>,
        %mul3A_882 = arith.constant 4 : i32
        %mul3A_883 = arith.muli %scan3A_849, %mul3A_882 : i32
        %add3A_884 = arith.constant 2 : i32
        %add3A_885 = arith.addi %mul3A_883, %add3A_884 : i32
        %get3A_886 = arith.index_cast %add3A_885 : i32 to index
        %get3A_887 = arith.constant 0 : index
        %get3A_888 = tpu.vector_load %arg8[%get3A_886, %get3A_887] {strides = array<i32>} : memref<512x32xf32, #tpu.memory_space<vmem>>, vector<16xf32>,
        %get3A_889 = arith.index_cast %add3A_885 : i32 to index
        %get3A_890 = arith.constant 16 : index
        %get3A_891 = tpu.vector_load %arg8[%get3A_889, %get3A_890] {strides = array<i32>} : memref<512x32xf32, #tpu.memory_space<vmem>>, vector<16xf32>,
        %broadcast_in_dim3A_892 = arith.constant 0 : i32
        %broadcast_in_dim3A_893 = vector.broadcast %broadcast_in_dim3A_892 : i32 to vector<16xi32>
        %add3A_894 = vector.broadcast %add3A_885 : i32 to vector<16xi32>
        %add3A_895 = arith.addi %broadcast_in_dim3A_893, %add3A_894 : vector<16xi32>
        tpu.vector_store_idx %arg10[%iota3A, %add3A_895], %get3A_888 : memref<32x512xf32, #tpu.memory_space<vmem>>[vector<16xi32>, vector<16xi32>], vector<16xf32>,
        %add3A_896 = arith.constant 16 : i32
        %add3A_897 = vector.broadcast %add3A_896 : i32 to vector<16xi32>
        %add3A_898 = arith.addi %iota3A, %add3A_897 : vector<16xi32>
        tpu.vector_store_idx %arg10[%add3A_898, %add3A_895], %get3A_891 : memref<32x512xf32, #tpu.memory_space<vmem>>[vector<16xi32>, vector<16xi32>], vector<16xf32>,
        %mul3A_899 = arith.constant 4 : i32
        %mul3A_900 = arith.muli %scan3A_849, %mul3A_899 : i32
        %add3A_901 = arith.constant 3 : i32
        %add3A_902 = arith.addi %mul3A_900, %add3A_901 : i32
        %get3A_903 = arith.index_cast %add3A_902 : i32 to index
        %get3A_904 = arith.constant 0 : index
        %get3A_905 = tpu.vector_load %arg8[%get3A_903, %get3A_904] {strides = array<i32>} : memref<512x32xf32, #tpu.memory_space<vmem>>, vector<16xf32>,
        %get3A_906 = arith.index_cast %add3A_902 : i32 to index
        %get3A_907 = arith.constant 16 : index
        %get3A_908 = tpu.vector_load %arg8[%get3A_906, %get3A_907] {strides = array<i32>} : memref<512x32xf32, #tpu.memory_space<vmem>>, vector<16xf32>,
        %broadcast_in_dim3A_909 = arith.constant 0 : i32
        %broadcast_in_dim3A_910 = vector.broadcast %broadcast_in_dim3A_909 : i32 to vector<16xi32>
        %add3A_911 = vector.broadcast %add3A_902 : i32 to vector<16xi32>
        %add3A_912 = arith.addi %broadcast_in_dim3A_910, %add3A_911 : vector<16xi32>
        tpu.vector_store_idx %arg10[%iota3A, %add3A_912], %get3A_905 : memref<32x512xf32, #tpu.memory_space<vmem>>[vector<16xi32>, vector<16xi32>], vector<16xf32>,
        %add3A_913 = arith.constant 16 : i32
        %add3A_914 = vector.broadcast %add3A_913 : i32 to vector<16xi32>
        %add3A_915 = arith.addi %iota3A, %add3A_914 : vector<16xi32>
        tpu.vector_store_idx %arg10[%add3A_915, %add3A_912], %get3A_908 : memref<32x512xf32, #tpu.memory_space<vmem>>[vector<16xi32>, vector<16xi32>], vector<16xf32>,
      }
      %scan3A_809 = arith.constant 128 : i32
      %dma_start3A_810 = arith.constant 0 : i32
      %dma_start3A_811 = tpu.memref_slice %arg4[%add3A_798, %dma_start3A_810, %mul3A_2] : memref<50x32x16384xf32, #tpu.memory_space<hbm>> -> memref<1x32x512xf32, #tpu.memory_space<hbm>>
      %dma_start3A_812 = tpu.memref_squeeze %dma_start3A_811 : memref<1x32x512xf32, #tpu.memory_space<hbm>> -> memref<32x512xf32, #tpu.memory_space<hbm>>
      %dma_start3A_813 = arith.constant 0 : i32
      %dma_start3A_814 = tpu.memref_slice %arg4[%add3A_798, %dma_start3A_813, %mul3A_2] : memref<50x32x16384xf32, #tpu.memory_space<hbm>> -> memref<1x32x512xf32, #tpu.memory_space<hbm>>
      %dma_start3A_815 = tpu.memref_squeeze %dma_start3A_814 : memref<1x32x512xf32, #tpu.memory_space<hbm>> -> memref<32x512xf32, #tpu.memory_space<hbm>>
      tpu.enqueue_dma source(%arg10 : memref<32x512xf32, #tpu.memory_space<vmem>>) target(%dma_start3A_815 : memref<32x512xf32, #tpu.memory_space<hbm>>) target_semaphore(%arg14 : memref<!tpu.dma_semaphore, #tpu.memory_space<semaphore_mem>>)
      %lt3A = arith.constant 24 : i32
      %lt3A_816 = arith.cmpi slt, %scan3A_794, %lt3A : i32
      %convert_element_type3A_817 = arith.extui %lt3A_816 : i1 to i32
      %cond3A_818 = arith.constant 0 : i32
      %cond3A_819 = arith.cmpi ne, %convert_element_type3A_817, %cond3A_818 : i32
      scf.if %cond3A_819 {
        %add3A_849 = arith.constant 2 : i32
        %add3A_850 = arith.addi %add3A_798, %add3A_849 : i32
        %add3A_851 = arith.constant 0 : i32
        %add3A_852 = vector.broadcast %add3A_851 : i32 to vector<16xi32>
        %add3A_853 = arith.addi %iota3A, %add3A_852 : vector<16xi32>
        %mul3A_854 = arith.constant 50 : i32
        %mul3A_855 = vector.broadcast %mul3A_854 : i32 to vector<16xi32>
        %mul3A_856 = arith.muli %add3A_853, %mul3A_855 : vector<16xi32>
        %add3A_857 = vector.broadcast %add3A_850 : i32 to vector<16xi32>
        %add3A_858 = arith.addi %mul3A_856, %add3A_857 : vector<16xi32>
        %gather3A_859 = tpu.vector_load_idx %arg5[%add3A_858] : memref<25600xi32, #tpu.memory_space<vmem>>[vector<16xi32>], vector<16xi32>,
        %swap3A_860 = arith.constant 0 : index
        %swap3A_861 = tpu.vector_load %arg6[%swap3A_860] {strides = array<i32>} : memref<512xi32, #tpu.memory_space<vmem>>, vector<16xi32>,
        tpu.vector_store %arg6[%swap3A_860], %gather3A_859 {strides = array<i32>} : memref<512xi32, #tpu.memory_space<vmem>>, vector<16xi32>,
        %add3A_862 = arith.constant 16 : i32
        %add3A_863 = vector.broadcast %add3A_862 : i32 to vector<16xi32>
        %add3A_864 = arith.addi %iota3A, %add3A_863 : vector<16xi32>
        %mul3A_865 = arith.constant 50 : i32
        %mul3A_866 = vector.broadcast %mul3A_865 : i32 to vector<16xi32>
        %mul3A_867 = arith.muli %add3A_864, %mul3A_866 : vector<16xi32>
        %add3A_868 = vector.broadcast %add3A_850 : i32 to vector<16xi32>
        %add3A_869 = arith.addi %mul3A_867, %add3A_868 : vector<16xi32>
        %gather3A_870 = tpu.vector_load_idx %arg5[%add3A_869] : memref<25600xi32, #tpu.memory_space<vmem>>[vector<16xi32>], vector<16xi32>,
        %swap3A_871 = arith.constant 16 : index
        %swap3A_872 = tpu.vector_load %arg6[%swap3A_871] {strides = array<i32>} : memref<512xi32, #tpu.memory_space<vmem>>, vector<16xi32>,
        tpu.vector_store %arg6[%swap3A_871], %gather3A_870 {strides = array<i32>} : memref<512xi32, #tpu.memory_space<vmem>>, vector<16xi32>,
        %add3A_873 = arith.constant 32 : i32
        %add3A_874 = vector.broadcast %add3A_873 : i32 to vector<16xi32>
        %add3A_875 = arith.addi %iota3A, %add3A_874 : vector<16xi32>
        %mul3A_876 = arith.constant 50 : i32
        %mul3A_877 = vector.broadcast %mul3A_876 : i32 to vector<16xi32>
        %mul3A_878 = arith.muli %add3A_875, %mul3A_877 : vector<16xi32>
        %add3A_879 = vector.broadcast %add3A_850 : i32 to vector<16xi32>
        %add3A_880 = arith.addi %mul3A_878, %add3A_879 : vector<16xi32>
        %gather3A_881 = tpu.vector_load_idx %arg5[%add3A_880] : memref<25600xi32, #tpu.memory_space<vmem>>[vector<16xi32>], vector<16xi32>,
        %swap3A_882 = arith.constant 32 : index
        %swap3A_883 = tpu.vector_load %arg6[%swap3A_882] {strides = array<i32>} : memref<512xi32, #tpu.memory_space<vmem>>, vector<16xi32>,
        tpu.vector_store %arg6[%swap3A_882], %gather3A_881 {strides = array<i32>} : memref<512xi32, #tpu.memory_space<vmem>>, vector<16xi32>,
        %add3A_884 = arith.constant 48 : i32
        %add3A_885 = vector.broadcast %add3A_884 : i32 to vector<16xi32>
        %add3A_886 = arith.addi %iota3A, %add3A_885 : vector<16xi32>
        %mul3A_887 = arith.constant 50 : i32
        %mul3A_888 = vector.broadcast %mul3A_887 : i32 to vector<16xi32>
        %mul3A_889 = arith.muli %add3A_886, %mul3A_888 : vector<16xi32>
        %add3A_890 = vector.broadcast %add3A_850 : i32 to vector<16xi32>
        %add3A_891 = arith.addi %mul3A_889, %add3A_890 : vector<16xi32>
        %gather3A_892 = tpu.vector_load_idx %arg5[%add3A_891] : memref<25600xi32, #tpu.memory_space<vmem>>[vector<16xi32>], vector<16xi32>,
        %swap3A_893 = arith.constant 48 : index
        %swap3A_894 = tpu.vector_load %arg6[%swap3A_893] {strides = array<i32>} : memref<512xi32, #tpu.memory_space<vmem>>, vector<16xi32>,
        tpu.vector_store %arg6[%swap3A_893], %gather3A_892 {strides = array<i32>} : memref<512xi32, #tpu.memory_space<vmem>>, vector<16xi32>,
        %add3A_895 = arith.constant 64 : i32
        %add3A_896 = vector.broadcast %add3A_895 : i32 to vector<16xi32>
        %add3A_897 = arith.addi %iota3A, %add3A_896 : vector<16xi32>
        %mul3A_898 = arith.constant 50 : i32
        %mul3A_899 = vector.broadcast %mul3A_898 : i32 to vector<16xi32>
        %mul3A_900 = arith.muli %add3A_897, %mul3A_899 : vector<16xi32>
        %add3A_901 = vector.broadcast %add3A_850 : i32 to vector<16xi32>
        %add3A_902 = arith.addi %mul3A_900, %add3A_901 : vector<16xi32>
        %gather3A_903 = tpu.vector_load_idx %arg5[%add3A_902] : memref<25600xi32, #tpu.memory_space<vmem>>[vector<16xi32>], vector<16xi32>,
        %swap3A_904 = arith.constant 64 : index
        %swap3A_905 = tpu.vector_load %arg6[%swap3A_904] {strides = array<i32>} : memref<512xi32, #tpu.memory_space<vmem>>, vector<16xi32>,
        tpu.vector_store %arg6[%swap3A_904], %gather3A_903 {strides = array<i32>} : memref<512xi32, #tpu.memory_space<vmem>>, vector<16xi32>,
        %add3A_906 = arith.constant 80 : i32
        %add3A_907 = vector.broadcast %add3A_906 : i32 to vector<16xi32>
        %add3A_908 = arith.addi %iota3A, %add3A_907 : vector<16xi32>
        %mul3A_909 = arith.constant 50 : i32
        %mul3A_910 = vector.broadcast %mul3A_909 : i32 to vector<16xi32>
        %mul3A_911 = arith.muli %add3A_908, %mul3A_910 : vector<16xi32>
        %add3A_912 = vector.broadcast %add3A_850 : i32 to vector<16xi32>
        %add3A_913 = arith.addi %mul3A_911, %add3A_912 : vector<16xi32>
        %gather3A_914 = tpu.vector_load_idx %arg5[%add3A_913] : memref<25600xi32, #tpu.memory_space<vmem>>[vector<16xi32>], vector<16xi32>,
        %swap3A_915 = arith.constant 80 : index
        %swap3A_916 = tpu.vector_load %arg6[%swap3A_915] {strides = array<i32>} : memref<512xi32, #tpu.memory_space<vmem>>, vector<16xi32>,
        tpu.vector_store %arg6[%swap3A_915], %gather3A_914 {strides = array<i32>} : memref<512xi32, #tpu.memory_space<vmem>>, vector<16xi32>,
        %add3A_917 = arith.constant 96 : i32
        %add3A_918 = vector.broadcast %add3A_917 : i32 to vector<16xi32>
        %add3A_919 = arith.addi %iota3A, %add3A_918 : vector<16xi32>
        %mul3A_920 = arith.constant 50 : i32
        %mul3A_921 = vector.broadcast %mul3A_920 : i32 to vector<16xi32>
        %mul3A_922 = arith.muli %add3A_919, %mul3A_921 : vector<16xi32>
        %add3A_923 = vector.broadcast %add3A_850 : i32 to vector<16xi32>
        %add3A_924 = arith.addi %mul3A_922, %add3A_923 : vector<16xi32>
        %gather3A_925 = tpu.vector_load_idx %arg5[%add3A_924] : memref<25600xi32, #tpu.memory_space<vmem>>[vector<16xi32>], vector<16xi32>,
        %swap3A_926 = arith.constant 96 : index
        %swap3A_927 = tpu.vector_load %arg6[%swap3A_926] {strides = array<i32>} : memref<512xi32, #tpu.memory_space<vmem>>, vector<16xi32>,
        tpu.vector_store %arg6[%swap3A_926], %gather3A_925 {strides = array<i32>} : memref<512xi32, #tpu.memory_space<vmem>>, vector<16xi32>,
        %add3A_928 = arith.constant 112 : i32
        %add3A_929 = vector.broadcast %add3A_928 : i32 to vector<16xi32>
        %add3A_930 = arith.addi %iota3A, %add3A_929 : vector<16xi32>
        %mul3A_931 = arith.constant 50 : i32
        %mul3A_932 = vector.broadcast %mul3A_931 : i32 to vector<16xi32>
        %mul3A_933 = arith.muli %add3A_930, %mul3A_932 : vector<16xi32>
        %add3A_934 = vector.broadcast %add3A_850 : i32 to vector<16xi32>
        %add3A_935 = arith.addi %mul3A_933, %add3A_934 : vector<16xi32>
        %gather3A_936 = tpu.vector_load_idx %arg5[%add3A_935] : memref<25600xi32, #tpu.memory_space<vmem>>[vector<16xi32>], vector<16xi32>,
        %swap3A_937 = arith.constant 112 : index
        %swap3A_938 = tpu.vector_load %arg6[%swap3A_937] {strides = array<i32>} : memref<512xi32, #tpu.memory_space<vmem>>, vector<16xi32>,
        tpu.vector_store %arg6[%swap3A_937], %gather3A_936 {strides = array<i32>} : memref<512xi32, #tpu.memory_space<vmem>>, vector<16xi32>,
        %add3A_939 = arith.constant 128 : i32
        %add3A_940 = vector.broadcast %add3A_939 : i32 to vector<16xi32>
        %add3A_941 = arith.addi %iota3A, %add3A_940 : vector<16xi32>
        %mul3A_942 = arith.constant 50 : i32
        %mul3A_943 = vector.broadcast %mul3A_942 : i32 to vector<16xi32>
        %mul3A_944 = arith.muli %add3A_941, %mul3A_943 : vector<16xi32>
        %add3A_945 = vector.broadcast %add3A_850 : i32 to vector<16xi32>
        %add3A_946 = arith.addi %mul3A_944, %add3A_945 : vector<16xi32>
        %gather3A_947 = tpu.vector_load_idx %arg5[%add3A_946] : memref<25600xi32, #tpu.memory_space<vmem>>[vector<16xi32>], vector<16xi32>,
        %swap3A_948 = arith.constant 128 : index
        %swap3A_949 = tpu.vector_load %arg6[%swap3A_948] {strides = array<i32>} : memref<512xi32, #tpu.memory_space<vmem>>, vector<16xi32>,
        tpu.vector_store %arg6[%swap3A_948], %gather3A_947 {strides = array<i32>} : memref<512xi32, #tpu.memory_space<vmem>>, vector<16xi32>,
        %add3A_950 = arith.constant 144 : i32
        %add3A_951 = vector.broadcast %add3A_950 : i32 to vector<16xi32>
        %add3A_952 = arith.addi %iota3A, %add3A_951 : vector<16xi32>
        %mul3A_953 = arith.constant 50 : i32
        %mul3A_954 = vector.broadcast %mul3A_953 : i32 to vector<16xi32>
        %mul3A_955 = arith.muli %add3A_952, %mul3A_954 : vector<16xi32>
        %add3A_956 = vector.broadcast %add3A_850 : i32 to vector<16xi32>
        %add3A_957 = arith.addi %mul3A_955, %add3A_956 : vector<16xi32>
        %gather3A_958 = tpu.vector_load_idx %arg5[%add3A_957] : memref<25600xi32, #tpu.memory_space<vmem>>[vector<16xi32>], vector<16xi32>,
        %swap3A_959 = arith.constant 144 : index
        %swap3A_960 = tpu.vector_load %arg6[%swap3A_959] {strides = array<i32>} : memref<512xi32, #tpu.memory_space<vmem>>, vector<16xi32>,
        tpu.vector_store %arg6[%swap3A_959], %gather3A_958 {strides = array<i32>} : memref<512xi32, #tpu.memory_space<vmem>>, vector<16xi32>,
        %add3A_961 = arith.constant 160 : i32
        %add3A_962 = vector.broadcast %add3A_961 : i32 to vector<16xi32>
        %add3A_963 = arith.addi %iota3A, %add3A_962 : vector<16xi32>
        %mul3A_964 = arith.constant 50 : i32
        %mul3A_965 = vector.broadcast %mul3A_964 : i32 to vector<16xi32>
        %mul3A_966 = arith.muli %add3A_963, %mul3A_965 : vector<16xi32>
        %add3A_967 = vector.broadcast %add3A_850 : i32 to vector<16xi32>
        %add3A_968 = arith.addi %mul3A_966, %add3A_967 : vector<16xi32>
        %gather3A_969 = tpu.vector_load_idx %arg5[%add3A_968] : memref<25600xi32, #tpu.memory_space<vmem>>[vector<16xi32>], vector<16xi32>,
        %swap3A_970 = arith.constant 160 : index
        %swap3A_971 = tpu.vector_load %arg6[%swap3A_970] {strides = array<i32>} : memref<512xi32, #tpu.memory_space<vmem>>, vector<16xi32>,
        tpu.vector_store %arg6[%swap3A_970], %gather3A_969 {strides = array<i32>} : memref<512xi32, #tpu.memory_space<vmem>>, vector<16xi32>,
        %add3A_972 = arith.constant 176 : i32
        %add3A_973 = vector.broadcast %add3A_972 : i32 to vector<16xi32>
        %add3A_974 = arith.addi %iota3A, %add3A_973 : vector<16xi32>
        %mul3A_975 = arith.constant 50 : i32
        %mul3A_976 = vector.broadcast %mul3A_975 : i32 to vector<16xi32>
        %mul3A_977 = arith.muli %add3A_974, %mul3A_976 : vector<16xi32>
        %add3A_978 = vector.broadcast %add3A_850 : i32 to vector<16xi32>
        %add3A_979 = arith.addi %mul3A_977, %add3A_978 : vector<16xi32>
        %gather3A_980 = tpu.vector_load_idx %arg5[%add3A_979] : memref<25600xi32, #tpu.memory_space<vmem>>[vector<16xi32>], vector<16xi32>,
        %swap3A_981 = arith.constant 176 : index
        %swap3A_982 = tpu.vector_load %arg6[%swap3A_981] {strides = array<i32>} : memref<512xi32, #tpu.memory_space<vmem>>, vector<16xi32>,
        tpu.vector_store %arg6[%swap3A_981], %gather3A_980 {strides = array<i32>} : memref<512xi32, #tpu.memory_space<vmem>>, vector<16xi32>,
        %add3A_983 = arith.constant 192 : i32
        %add3A_984 = vector.broadcast %add3A_983 : i32 to vector<16xi32>
        %add3A_985 = arith.addi %iota3A, %add3A_984 : vector<16xi32>
        %mul3A_986 = arith.constant 50 : i32
        %mul3A_987 = vector.broadcast %mul3A_986 : i32 to vector<16xi32>
        %mul3A_988 = arith.muli %add3A_985, %mul3A_987 : vector<16xi32>
        %add3A_989 = vector.broadcast %add3A_850 : i32 to vector<16xi32>
        %add3A_990 = arith.addi %mul3A_988, %add3A_989 : vector<16xi32>
        %gather3A_991 = tpu.vector_load_idx %arg5[%add3A_990] : memref<25600xi32, #tpu.memory_space<vmem>>[vector<16xi32>], vector<16xi32>,
        %swap3A_992 = arith.constant 192 : index
        %swap3A_993 = tpu.vector_load %arg6[%swap3A_992] {strides = array<i32>} : memref<512xi32, #tpu.memory_space<vmem>>, vector<16xi32>,
        tpu.vector_store %arg6[%swap3A_992], %gather3A_991 {strides = array<i32>} : memref<512xi32, #tpu.memory_space<vmem>>, vector<16xi32>,
        %add3A_994 = arith.constant 208 : i32
        %add3A_995 = vector.broadcast %add3A_994 : i32 to vector<16xi32>
        %add3A_996 = arith.addi %iota3A, %add3A_995 : vector<16xi32>
        %mul3A_997 = arith.constant 50 : i32
        %mul3A_998 = vector.broadcast %mul3A_997 : i32 to vector<16xi32>
        %mul3A_999 = arith.muli %add3A_996, %mul3A_998 : vector<16xi32>
        %add3A_1000 = vector.broadcast %add3A_850 : i32 to vector<16xi32>
        %add3A_1001 = arith.addi %mul3A_999, %add3A_1000 : vector<16xi32>
        %gather3A_1002 = tpu.vector_load_idx %arg5[%add3A_1001] : memref<25600xi32, #tpu.memory_space<vmem>>[vector<16xi32>], vector<16xi32>,
        %swap3A_1003 = arith.constant 208 : index
        %swap3A_1004 = tpu.vector_load %arg6[%swap3A_1003] {strides = array<i32>} : memref<512xi32, #tpu.memory_space<vmem>>, vector<16xi32>,
        tpu.vector_store %arg6[%swap3A_1003], %gather3A_1002 {strides = array<i32>} : memref<512xi32, #tpu.memory_space<vmem>>, vector<16xi32>,
        %add3A_1005 = arith.constant 224 : i32
        %add3A_1006 = vector.broadcast %add3A_1005 : i32 to vector<16xi32>
        %add3A_1007 = arith.addi %iota3A, %add3A_1006 : vector<16xi32>
        %mul3A_1008 = arith.constant 50 : i32
        %mul3A_1009 = vector.broadcast %mul3A_1008 : i32 to vector<16xi32>
        %mul3A_1010 = arith.muli %add3A_1007, %mul3A_1009 : vector<16xi32>
        %add3A_1011 = vector.broadcast %add3A_850 : i32 to vector<16xi32>
        %add3A_1012 = arith.addi %mul3A_1010, %add3A_1011 : vector<16xi32>
        %gather3A_1013 = tpu.vector_load_idx %arg5[%add3A_1012] : memref<25600xi32, #tpu.memory_space<vmem>>[vector<16xi32>], vector<16xi32>,
        %swap3A_1014 = arith.constant 224 : index
        %swap3A_1015 = tpu.vector_load %arg6[%swap3A_1014] {strides = array<i32>} : memref<512xi32, #tpu.memory_space<vmem>>, vector<16xi32>,
        tpu.vector_store %arg6[%swap3A_1014], %gather3A_1013 {strides = array<i32>} : memref<512xi32, #tpu.memory_space<vmem>>, vector<16xi32>,
        %add3A_1016 = arith.constant 240 : i32
        %add3A_1017 = vector.broadcast %add3A_1016 : i32 to vector<16xi32>
        %add3A_1018 = arith.addi %iota3A, %add3A_1017 : vector<16xi32>
        %mul3A_1019 = arith.constant 50 : i32
        %mul3A_1020 = vector.broadcast %mul3A_1019 : i32 to vector<16xi32>
        %mul3A_1021 = arith.muli %add3A_1018, %mul3A_1020 : vector<16xi32>
        %add3A_1022 = vector.broadcast %add3A_850 : i32 to vector<16xi32>
        %add3A_1023 = arith.addi %mul3A_1021, %add3A_1022 : vector<16xi32>
        %gather3A_1024 = tpu.vector_load_idx %arg5[%add3A_1023] : memref<25600xi32, #tpu.memory_space<vmem>>[vector<16xi32>], vector<16xi32>,
        %swap3A_1025 = arith.constant 240 : index
        %swap3A_1026 = tpu.vector_load %arg6[%swap3A_1025] {strides = array<i32>} : memref<512xi32, #tpu.memory_space<vmem>>, vector<16xi32>,
        tpu.vector_store %arg6[%swap3A_1025], %gather3A_1024 {strides = array<i32>} : memref<512xi32, #tpu.memory_space<vmem>>, vector<16xi32>,
        %add3A_1027 = arith.constant 256 : i32
        %add3A_1028 = vector.broadcast %add3A_1027 : i32 to vector<16xi32>
        %add3A_1029 = arith.addi %iota3A, %add3A_1028 : vector<16xi32>
        %mul3A_1030 = arith.constant 50 : i32
        %mul3A_1031 = vector.broadcast %mul3A_1030 : i32 to vector<16xi32>
        %mul3A_1032 = arith.muli %add3A_1029, %mul3A_1031 : vector<16xi32>
        %add3A_1033 = vector.broadcast %add3A_850 : i32 to vector<16xi32>
        %add3A_1034 = arith.addi %mul3A_1032, %add3A_1033 : vector<16xi32>
        %gather3A_1035 = tpu.vector_load_idx %arg5[%add3A_1034] : memref<25600xi32, #tpu.memory_space<vmem>>[vector<16xi32>], vector<16xi32>,
        %swap3A_1036 = arith.constant 256 : index
        %swap3A_1037 = tpu.vector_load %arg6[%swap3A_1036] {strides = array<i32>} : memref<512xi32, #tpu.memory_space<vmem>>, vector<16xi32>,
        tpu.vector_store %arg6[%swap3A_1036], %gather3A_1035 {strides = array<i32>} : memref<512xi32, #tpu.memory_space<vmem>>, vector<16xi32>,
        %add3A_1038 = arith.constant 272 : i32
        %add3A_1039 = vector.broadcast %add3A_1038 : i32 to vector<16xi32>
        %add3A_1040 = arith.addi %iota3A, %add3A_1039 : vector<16xi32>
        %mul3A_1041 = arith.constant 50 : i32
        %mul3A_1042 = vector.broadcast %mul3A_1041 : i32 to vector<16xi32>
        %mul3A_1043 = arith.muli %add3A_1040, %mul3A_1042 : vector<16xi32>
        %add3A_1044 = vector.broadcast %add3A_850 : i32 to vector<16xi32>
        %add3A_1045 = arith.addi %mul3A_1043, %add3A_1044 : vector<16xi32>
        %gather3A_1046 = tpu.vector_load_idx %arg5[%add3A_1045] : memref<25600xi32, #tpu.memory_space<vmem>>[vector<16xi32>], vector<16xi32>,
        %swap3A_1047 = arith.constant 272 : index
        %swap3A_1048 = tpu.vector_load %arg6[%swap3A_1047] {strides = array<i32>} : memref<512xi32, #tpu.memory_space<vmem>>, vector<16xi32>,
        tpu.vector_store %arg6[%swap3A_1047], %gather3A_1046 {strides = array<i32>} : memref<512xi32, #tpu.memory_space<vmem>>, vector<16xi32>,
        %add3A_1049 = arith.constant 288 : i32
        %add3A_1050 = vector.broadcast %add3A_1049 : i32 to vector<16xi32>
        %add3A_1051 = arith.addi %iota3A, %add3A_1050 : vector<16xi32>
        %mul3A_1052 = arith.constant 50 : i32
        %mul3A_1053 = vector.broadcast %mul3A_1052 : i32 to vector<16xi32>
        %mul3A_1054 = arith.muli %add3A_1051, %mul3A_1053 : vector<16xi32>
        %add3A_1055 = vector.broadcast %add3A_850 : i32 to vector<16xi32>
        %add3A_1056 = arith.addi %mul3A_1054, %add3A_1055 : vector<16xi32>
        %gather3A_1057 = tpu.vector_load_idx %arg5[%add3A_1056] : memref<25600xi32, #tpu.memory_space<vmem>>[vector<16xi32>], vector<16xi32>,
        %swap3A_1058 = arith.constant 288 : index
        %swap3A_1059 = tpu.vector_load %arg6[%swap3A_1058] {strides = array<i32>} : memref<512xi32, #tpu.memory_space<vmem>>, vector<16xi32>,
        tpu.vector_store %arg6[%swap3A_1058], %gather3A_1057 {strides = array<i32>} : memref<512xi32, #tpu.memory_space<vmem>>, vector<16xi32>,
        %add3A_1060 = arith.constant 304 : i32
        %add3A_1061 = vector.broadcast %add3A_1060 : i32 to vector<16xi32>
        %add3A_1062 = arith.addi %iota3A, %add3A_1061 : vector<16xi32>
        %mul3A_1063 = arith.constant 50 : i32
        %mul3A_1064 = vector.broadcast %mul3A_1063 : i32 to vector<16xi32>
        %mul3A_1065 = arith.muli %add3A_1062, %mul3A_1064 : vector<16xi32>
        %add3A_1066 = vector.broadcast %add3A_850 : i32 to vector<16xi32>
        %add3A_1067 = arith.addi %mul3A_1065, %add3A_1066 : vector<16xi32>
        %gather3A_1068 = tpu.vector_load_idx %arg5[%add3A_1067] : memref<25600xi32, #tpu.memory_space<vmem>>[vector<16xi32>], vector<16xi32>,
        %swap3A_1069 = arith.constant 304 : index
        %swap3A_1070 = tpu.vector_load %arg6[%swap3A_1069] {strides = array<i32>} : memref<512xi32, #tpu.memory_space<vmem>>, vector<16xi32>,
        tpu.vector_store %arg6[%swap3A_1069], %gather3A_1068 {strides = array<i32>} : memref<512xi32, #tpu.memory_space<vmem>>, vector<16xi32>,
        %add3A_1071 = arith.constant 320 : i32
        %add3A_1072 = vector.broadcast %add3A_1071 : i32 to vector<16xi32>
        %add3A_1073 = arith.addi %iota3A, %add3A_1072 : vector<16xi32>
        %mul3A_1074 = arith.constant 50 : i32
        %mul3A_1075 = vector.broadcast %mul3A_1074 : i32 to vector<16xi32>
        %mul3A_1076 = arith.muli %add3A_1073, %mul3A_1075 : vector<16xi32>
        %add3A_1077 = vector.broadcast %add3A_850 : i32 to vector<16xi32>
        %add3A_1078 = arith.addi %mul3A_1076, %add3A_1077 : vector<16xi32>
        %gather3A_1079 = tpu.vector_load_idx %arg5[%add3A_1078] : memref<25600xi32, #tpu.memory_space<vmem>>[vector<16xi32>], vector<16xi32>,
        %swap3A_1080 = arith.constant 320 : index
        %swap3A_1081 = tpu.vector_load %arg6[%swap3A_1080] {strides = array<i32>} : memref<512xi32, #tpu.memory_space<vmem>>, vector<16xi32>,
        tpu.vector_store %arg6[%swap3A_1080], %gather3A_1079 {strides = array<i32>} : memref<512xi32, #tpu.memory_space<vmem>>, vector<16xi32>,
        %add3A_1082 = arith.constant 336 : i32
        %add3A_1083 = vector.broadcast %add3A_1082 : i32 to vector<16xi32>
        %add3A_1084 = arith.addi %iota3A, %add3A_1083 : vector<16xi32>
        %mul3A_1085 = arith.constant 50 : i32
        %mul3A_1086 = vector.broadcast %mul3A_1085 : i32 to vector<16xi32>
        %mul3A_1087 = arith.muli %add3A_1084, %mul3A_1086 : vector<16xi32>
        %add3A_1088 = vector.broadcast %add3A_850 : i32 to vector<16xi32>
        %add3A_1089 = arith.addi %mul3A_1087, %add3A_1088 : vector<16xi32>
        %gather3A_1090 = tpu.vector_load_idx %arg5[%add3A_1089] : memref<25600xi32, #tpu.memory_space<vmem>>[vector<16xi32>], vector<16xi32>,
        %swap3A_1091 = arith.constant 336 : index
        %swap3A_1092 = tpu.vector_load %arg6[%swap3A_1091] {strides = array<i32>} : memref<512xi32, #tpu.memory_space<vmem>>, vector<16xi32>,
        tpu.vector_store %arg6[%swap3A_1091], %gather3A_1090 {strides = array<i32>} : memref<512xi32, #tpu.memory_space<vmem>>, vector<16xi32>,
        %add3A_1093 = arith.constant 352 : i32
        %add3A_1094 = vector.broadcast %add3A_1093 : i32 to vector<16xi32>
        %add3A_1095 = arith.addi %iota3A, %add3A_1094 : vector<16xi32>
        %mul3A_1096 = arith.constant 50 : i32
        %mul3A_1097 = vector.broadcast %mul3A_1096 : i32 to vector<16xi32>
        %mul3A_1098 = arith.muli %add3A_1095, %mul3A_1097 : vector<16xi32>
        %add3A_1099 = vector.broadcast %add3A_850 : i32 to vector<16xi32>
        %add3A_1100 = arith.addi %mul3A_1098, %add3A_1099 : vector<16xi32>
        %gather3A_1101 = tpu.vector_load_idx %arg5[%add3A_1100] : memref<25600xi32, #tpu.memory_space<vmem>>[vector<16xi32>], vector<16xi32>,
        %swap3A_1102 = arith.constant 352 : index
        %swap3A_1103 = tpu.vector_load %arg6[%swap3A_1102] {strides = array<i32>} : memref<512xi32, #tpu.memory_space<vmem>>, vector<16xi32>,
        tpu.vector_store %arg6[%swap3A_1102], %gather3A_1101 {strides = array<i32>} : memref<512xi32, #tpu.memory_space<vmem>>, vector<16xi32>,
        %add3A_1104 = arith.constant 368 : i32
        %add3A_1105 = vector.broadcast %add3A_1104 : i32 to vector<16xi32>
        %add3A_1106 = arith.addi %iota3A, %add3A_1105 : vector<16xi32>
        %mul3A_1107 = arith.constant 50 : i32
        %mul3A_1108 = vector.broadcast %mul3A_1107 : i32 to vector<16xi32>
        %mul3A_1109 = arith.muli %add3A_1106, %mul3A_1108 : vector<16xi32>
        %add3A_1110 = vector.broadcast %add3A_850 : i32 to vector<16xi32>
        %add3A_1111 = arith.addi %mul3A_1109, %add3A_1110 : vector<16xi32>
        %gather3A_1112 = tpu.vector_load_idx %arg5[%add3A_1111] : memref<25600xi32, #tpu.memory_space<vmem>>[vector<16xi32>], vector<16xi32>,
        %swap3A_1113 = arith.constant 368 : index
        %swap3A_1114 = tpu.vector_load %arg6[%swap3A_1113] {strides = array<i32>} : memref<512xi32, #tpu.memory_space<vmem>>, vector<16xi32>,
        tpu.vector_store %arg6[%swap3A_1113], %gather3A_1112 {strides = array<i32>} : memref<512xi32, #tpu.memory_space<vmem>>, vector<16xi32>,
        %add3A_1115 = arith.constant 384 : i32
        %add3A_1116 = vector.broadcast %add3A_1115 : i32 to vector<16xi32>
        %add3A_1117 = arith.addi %iota3A, %add3A_1116 : vector<16xi32>
        %mul3A_1118 = arith.constant 50 : i32
        %mul3A_1119 = vector.broadcast %mul3A_1118 : i32 to vector<16xi32>
        %mul3A_1120 = arith.muli %add3A_1117, %mul3A_1119 : vector<16xi32>
        %add3A_1121 = vector.broadcast %add3A_850 : i32 to vector<16xi32>
        %add3A_1122 = arith.addi %mul3A_1120, %add3A_1121 : vector<16xi32>
        %gather3A_1123 = tpu.vector_load_idx %arg5[%add3A_1122] : memref<25600xi32, #tpu.memory_space<vmem>>[vector<16xi32>], vector<16xi32>,
        %swap3A_1124 = arith.constant 384 : index
        %swap3A_1125 = tpu.vector_load %arg6[%swap3A_1124] {strides = array<i32>} : memref<512xi32, #tpu.memory_space<vmem>>, vector<16xi32>,
        tpu.vector_store %arg6[%swap3A_1124], %gather3A_1123 {strides = array<i32>} : memref<512xi32, #tpu.memory_space<vmem>>, vector<16xi32>,
        %add3A_1126 = arith.constant 400 : i32
        %add3A_1127 = vector.broadcast %add3A_1126 : i32 to vector<16xi32>
        %add3A_1128 = arith.addi %iota3A, %add3A_1127 : vector<16xi32>
        %mul3A_1129 = arith.constant 50 : i32
        %mul3A_1130 = vector.broadcast %mul3A_1129 : i32 to vector<16xi32>
        %mul3A_1131 = arith.muli %add3A_1128, %mul3A_1130 : vector<16xi32>
        %add3A_1132 = vector.broadcast %add3A_850 : i32 to vector<16xi32>
        %add3A_1133 = arith.addi %mul3A_1131, %add3A_1132 : vector<16xi32>
        %gather3A_1134 = tpu.vector_load_idx %arg5[%add3A_1133] : memref<25600xi32, #tpu.memory_space<vmem>>[vector<16xi32>], vector<16xi32>,
        %swap3A_1135 = arith.constant 400 : index
        %swap3A_1136 = tpu.vector_load %arg6[%swap3A_1135] {strides = array<i32>} : memref<512xi32, #tpu.memory_space<vmem>>, vector<16xi32>,
        tpu.vector_store %arg6[%swap3A_1135], %gather3A_1134 {strides = array<i32>} : memref<512xi32, #tpu.memory_space<vmem>>, vector<16xi32>,
        %add3A_1137 = arith.constant 416 : i32
        %add3A_1138 = vector.broadcast %add3A_1137 : i32 to vector<16xi32>
        %add3A_1139 = arith.addi %iota3A, %add3A_1138 : vector<16xi32>
        %mul3A_1140 = arith.constant 50 : i32
        %mul3A_1141 = vector.broadcast %mul3A_1140 : i32 to vector<16xi32>
        %mul3A_1142 = arith.muli %add3A_1139, %mul3A_1141 : vector<16xi32>
        %add3A_1143 = vector.broadcast %add3A_850 : i32 to vector<16xi32>
        %add3A_1144 = arith.addi %mul3A_1142, %add3A_1143 : vector<16xi32>
        %gather3A_1145 = tpu.vector_load_idx %arg5[%add3A_1144] : memref<25600xi32, #tpu.memory_space<vmem>>[vector<16xi32>], vector<16xi32>,
        %swap3A_1146 = arith.constant 416 : index
        %swap3A_1147 = tpu.vector_load %arg6[%swap3A_1146] {strides = array<i32>} : memref<512xi32, #tpu.memory_space<vmem>>, vector<16xi32>,
        tpu.vector_store %arg6[%swap3A_1146], %gather3A_1145 {strides = array<i32>} : memref<512xi32, #tpu.memory_space<vmem>>, vector<16xi32>,
        %add3A_1148 = arith.constant 432 : i32
        %add3A_1149 = vector.broadcast %add3A_1148 : i32 to vector<16xi32>
        %add3A_1150 = arith.addi %iota3A, %add3A_1149 : vector<16xi32>
        %mul3A_1151 = arith.constant 50 : i32
        %mul3A_1152 = vector.broadcast %mul3A_1151 : i32 to vector<16xi32>
        %mul3A_1153 = arith.muli %add3A_1150, %mul3A_1152 : vector<16xi32>
        %add3A_1154 = vector.broadcast %add3A_850 : i32 to vector<16xi32>
        %add3A_1155 = arith.addi %mul3A_1153, %add3A_1154 : vector<16xi32>
        %gather3A_1156 = tpu.vector_load_idx %arg5[%add3A_1155] : memref<25600xi32, #tpu.memory_space<vmem>>[vector<16xi32>], vector<16xi32>,
        %swap3A_1157 = arith.constant 432 : index
        %swap3A_1158 = tpu.vector_load %arg6[%swap3A_1157] {strides = array<i32>} : memref<512xi32, #tpu.memory_space<vmem>>, vector<16xi32>,
        tpu.vector_store %arg6[%swap3A_1157], %gather3A_1156 {strides = array<i32>} : memref<512xi32, #tpu.memory_space<vmem>>, vector<16xi32>,
        %add3A_1159 = arith.constant 448 : i32
        %add3A_1160 = vector.broadcast %add3A_1159 : i32 to vector<16xi32>
        %add3A_1161 = arith.addi %iota3A, %add3A_1160 : vector<16xi32>
        %mul3A_1162 = arith.constant 50 : i32
        %mul3A_1163 = vector.broadcast %mul3A_1162 : i32 to vector<16xi32>
        %mul3A_1164 = arith.muli %add3A_1161, %mul3A_1163 : vector<16xi32>
        %add3A_1165 = vector.broadcast %add3A_850 : i32 to vector<16xi32>
        %add3A_1166 = arith.addi %mul3A_1164, %add3A_1165 : vector<16xi32>
        %gather3A_1167 = tpu.vector_load_idx %arg5[%add3A_1166] : memref<25600xi32, #tpu.memory_space<vmem>>[vector<16xi32>], vector<16xi32>,
        %swap3A_1168 = arith.constant 448 : index
        %swap3A_1169 = tpu.vector_load %arg6[%swap3A_1168] {strides = array<i32>} : memref<512xi32, #tpu.memory_space<vmem>>, vector<16xi32>,
        tpu.vector_store %arg6[%swap3A_1168], %gather3A_1167 {strides = array<i32>} : memref<512xi32, #tpu.memory_space<vmem>>, vector<16xi32>,
        %add3A_1170 = arith.constant 464 : i32
        %add3A_1171 = vector.broadcast %add3A_1170 : i32 to vector<16xi32>
        %add3A_1172 = arith.addi %iota3A, %add3A_1171 : vector<16xi32>
        %mul3A_1173 = arith.constant 50 : i32
        %mul3A_1174 = vector.broadcast %mul3A_1173 : i32 to vector<16xi32>
        %mul3A_1175 = arith.muli %add3A_1172, %mul3A_1174 : vector<16xi32>
        %add3A_1176 = vector.broadcast %add3A_850 : i32 to vector<16xi32>
        %add3A_1177 = arith.addi %mul3A_1175, %add3A_1176 : vector<16xi32>
        %gather3A_1178 = tpu.vector_load_idx %arg5[%add3A_1177] : memref<25600xi32, #tpu.memory_space<vmem>>[vector<16xi32>], vector<16xi32>,
        %swap3A_1179 = arith.constant 464 : index
        %swap3A_1180 = tpu.vector_load %arg6[%swap3A_1179] {strides = array<i32>} : memref<512xi32, #tpu.memory_space<vmem>>, vector<16xi32>,
        tpu.vector_store %arg6[%swap3A_1179], %gather3A_1178 {strides = array<i32>} : memref<512xi32, #tpu.memory_space<vmem>>, vector<16xi32>,
        %add3A_1181 = arith.constant 480 : i32
        %add3A_1182 = vector.broadcast %add3A_1181 : i32 to vector<16xi32>
        %add3A_1183 = arith.addi %iota3A, %add3A_1182 : vector<16xi32>
        %mul3A_1184 = arith.constant 50 : i32
        %mul3A_1185 = vector.broadcast %mul3A_1184 : i32 to vector<16xi32>
        %mul3A_1186 = arith.muli %add3A_1183, %mul3A_1185 : vector<16xi32>
        %add3A_1187 = vector.broadcast %add3A_850 : i32 to vector<16xi32>
        %add3A_1188 = arith.addi %mul3A_1186, %add3A_1187 : vector<16xi32>
        %gather3A_1189 = tpu.vector_load_idx %arg5[%add3A_1188] : memref<25600xi32, #tpu.memory_space<vmem>>[vector<16xi32>], vector<16xi32>,
        %swap3A_1190 = arith.constant 480 : index
        %swap3A_1191 = tpu.vector_load %arg6[%swap3A_1190] {strides = array<i32>} : memref<512xi32, #tpu.memory_space<vmem>>, vector<16xi32>,
        tpu.vector_store %arg6[%swap3A_1190], %gather3A_1189 {strides = array<i32>} : memref<512xi32, #tpu.memory_space<vmem>>, vector<16xi32>,
        %add3A_1192 = arith.constant 496 : i32
        %add3A_1193 = vector.broadcast %add3A_1192 : i32 to vector<16xi32>
        %add3A_1194 = arith.addi %iota3A, %add3A_1193 : vector<16xi32>
        %mul3A_1195 = arith.constant 50 : i32
        %mul3A_1196 = vector.broadcast %mul3A_1195 : i32 to vector<16xi32>
        %mul3A_1197 = arith.muli %add3A_1194, %mul3A_1196 : vector<16xi32>
        %add3A_1198 = vector.broadcast %add3A_850 : i32 to vector<16xi32>
        %add3A_1199 = arith.addi %mul3A_1197, %add3A_1198 : vector<16xi32>
        %gather3A_1200 = tpu.vector_load_idx %arg5[%add3A_1199] : memref<25600xi32, #tpu.memory_space<vmem>>[vector<16xi32>], vector<16xi32>,
        %swap3A_1201 = arith.constant 496 : index
        %swap3A_1202 = tpu.vector_load %arg6[%swap3A_1201] {strides = array<i32>} : memref<512xi32, #tpu.memory_space<vmem>>, vector<16xi32>,
        tpu.vector_store %arg6[%swap3A_1201], %gather3A_1200 {strides = array<i32>} : memref<512xi32, #tpu.memory_space<vmem>>, vector<16xi32>,
        %dma_start3A_1203 = arith.constant 0 : i32
        %dma_start3A_1204 = arith.constant 0 : i32
        %dma_start3A_1205 = tpu.memref_slice %arg3[%dma_start3A_1203, %dma_start3A_1204] : memref<1000000x32xf32, #tpu.memory_space<hbm>> -> memref<1000000x32xf32, #tpu.memory_space<hbm>>
        tpu.enqueue_indirect_dma source(%dma_start3A_1205 : memref<1000000x32xf32, #tpu.memory_space<hbm>>) target(%arg8 : memref<512x32xf32, #tpu.memory_space<vmem>>) offsets(%arg6 : memref<512xi32, #tpu.memory_space<vmem>>) semaphore(%arg12 : memref<!tpu.dma_semaphore, #tpu.memory_space<semaphore_mem>>)
      } else {
      }
      %mul3A_820 = arith.constant 2 : i32
      %mul3A_821 = arith.muli %scan3A_794, %mul3A_820 : i32
      %add3A_822 = arith.constant 1 : i32
      %add3A_823 = arith.addi %mul3A_821, %add3A_822 : i32
      %dma_wait3A_824 = arith.constant 0 : i32
      %dma_wait3A_825 = arith.constant 0 : i32
      %dma_wait3A_826 = tpu.memref_slice %arg3[%dma_wait3A_824, %dma_wait3A_825] : memref<1000000x32xf32, #tpu.memory_space<hbm>> -> memref<1000000x32xf32, #tpu.memory_space<hbm>>
      tpu.wait_indirect_dma semaphore(%arg13 : memref<!tpu.dma_semaphore, #tpu.memory_space<semaphore_mem>>) src(%dma_wait3A_826 : memref<1000000x32xf32, #tpu.memory_space<hbm>>) dst(%arg9 : memref<512x32xf32, #tpu.memory_space<vmem>>)
      %ge3A_827 = arith.constant 1 : i32
      %ge3A_828 = arith.cmpi sge, %scan3A_794, %ge3A_827 : i32
      %convert_element_type3A_829 = arith.extui %ge3A_828 : i1 to i32
      %cond3A_830 = arith.constant 0 : i32
      %cond3A_831 = arith.cmpi ne, %convert_element_type3A_829, %cond3A_830 : i32
      scf.if %cond3A_831 {
        %sub3A = arith.constant 2 : i32
        %sub3A_849 = arith.subi %add3A_823, %sub3A : i32
        %dma_wait3A_850 = arith.constant 0 : i32
        %dma_wait3A_851 = tpu.memref_slice %arg4[%sub3A_849, %dma_wait3A_850, %mul3A_2] : memref<50x32x16384xf32, #tpu.memory_space<hbm>> -> memref<1x32x512xf32, #tpu.memory_space<hbm>>
        %dma_wait3A_852 = tpu.memref_squeeze %dma_wait3A_851 : memref<1x32x512xf32, #tpu.memory_space<hbm>> -> memref<32x512xf32, #tpu.memory_space<hbm>>
        %dma_wait3A_853 = arith.constant 0 : i32
        %dma_wait3A_854 = tpu.memref_slice %arg4[%sub3A_849, %dma_wait3A_853, %mul3A_2] : memref<50x32x16384xf32, #tpu.memory_space<hbm>> -> memref<1x32x512xf32, #tpu.memory_space<hbm>>
        %dma_wait3A_855 = tpu.memref_squeeze %dma_wait3A_854 : memref<1x32x512xf32, #tpu.memory_space<hbm>> -> memref<32x512xf32, #tpu.memory_space<hbm>>
        tpu.wait_dma2 semaphore(%arg15 : memref<!tpu.dma_semaphore, #tpu.memory_space<semaphore_mem>>) src(%arg11 : memref<32x512xf32, #tpu.memory_space<vmem>>) dst(%dma_wait3A_855 : memref<32x512xf32, #tpu.memory_space<hbm>>)
      } else {
      }
      %scan3A_832 = arith.constant 0 : i32
      %scan3A_833 = arith.constant 0 : i32
      %scan3A_834 = arith.constant 128 : i32
      %scan3A_835 = arith.addi %scan3A_833, %scan3A_834 : i32
      %scan3A_836 = arith.constant 1 : i32
      scf.for %scan3A_849 = %scan3A_833 to %scan3A_835 step %scan3A_836  : i32 {
        %mul3A_850 = arith.constant 4 : i32
        %mul3A_851 = arith.muli %scan3A_849, %mul3A_850 : i32
        %add3A_852 = arith.constant 0 : i32
        %add3A_853 = arith.addi %mul3A_851, %add3A_852 : i32
        %get3A = arith.index_cast %add3A_853 : i32 to index
        %get3A_854 = arith.constant 0 : index
        %get3A_855 = tpu.vector_load %arg9[%get3A, %get3A_854] {strides = array<i32>} : memref<512x32xf32, #tpu.memory_space<vmem>>, vector<16xf32>,
        %get3A_856 = arith.index_cast %add3A_853 : i32 to index
        %get3A_857 = arith.constant 16 : index
        %get3A_858 = tpu.vector_load %arg9[%get3A_856, %get3A_857] {strides = array<i32>} : memref<512x32xf32, #tpu.memory_space<vmem>>, vector<16xf32>,
        %broadcast_in_dim3A = arith.constant 0 : i32
        %broadcast_in_dim3A_859 = vector.broadcast %broadcast_in_dim3A : i32 to vector<16xi32>
        %add3A_860 = vector.broadcast %add3A_853 : i32 to vector<16xi32>
        %add3A_861 = arith.addi %broadcast_in_dim3A_859, %add3A_860 : vector<16xi32>
        tpu.vector_store_idx %arg11[%iota3A, %add3A_861], %get3A_855 : memref<32x512xf32, #tpu.memory_space<vmem>>[vector<16xi32>, vector<16xi32>], vector<16xf32>,
        %add3A_862 = arith.constant 16 : i32
        %add3A_863 = vector.broadcast %add3A_862 : i32 to vector<16xi32>
        %add3A_864 = arith.addi %iota3A, %add3A_863 : vector<16xi32>
        tpu.vector_store_idx %arg11[%add3A_864, %add3A_861], %get3A_858 : memref<32x512xf32, #tpu.memory_space<vmem>>[vector<16xi32>, vector<16xi32>], vector<16xf32>,
        %mul3A_865 = arith.constant 4 : i32
        %mul3A_866 = arith.muli %scan3A_849, %mul3A_865 : i32
        %add3A_867 = arith.constant 1 : i32
        %add3A_868 = arith.addi %mul3A_866, %add3A_867 : i32
        %get3A_869 = arith.index_cast %add3A_868 : i32 to index
        %get3A_870 = arith.constant 0 : index
        %get3A_871 = tpu.vector_load %arg9[%get3A_869, %get3A_870] {strides = array<i32>} : memref<512x32xf32, #tpu.memory_space<vmem>>, vector<16xf32>,
        %get3A_872 = arith.index_cast %add3A_868 : i32 to index
        %get3A_873 = arith.constant 16 : index
        %get3A_874 = tpu.vector_load %arg9[%get3A_872, %get3A_873] {strides = array<i32>} : memref<512x32xf32, #tpu.memory_space<vmem>>, vector<16xf32>,
        %broadcast_in_dim3A_875 = arith.constant 0 : i32
        %broadcast_in_dim3A_876 = vector.broadcast %broadcast_in_dim3A_875 : i32 to vector<16xi32>
        %add3A_877 = vector.broadcast %add3A_868 : i32 to vector<16xi32>
        %add3A_878 = arith.addi %broadcast_in_dim3A_876, %add3A_877 : vector<16xi32>
        tpu.vector_store_idx %arg11[%iota3A, %add3A_878], %get3A_871 : memref<32x512xf32, #tpu.memory_space<vmem>>[vector<16xi32>, vector<16xi32>], vector<16xf32>,
        %add3A_879 = arith.constant 16 : i32
        %add3A_880 = vector.broadcast %add3A_879 : i32 to vector<16xi32>
        %add3A_881 = arith.addi %iota3A, %add3A_880 : vector<16xi32>
        tpu.vector_store_idx %arg11[%add3A_881, %add3A_878], %get3A_874 : memref<32x512xf32, #tpu.memory_space<vmem>>[vector<16xi32>, vector<16xi32>], vector<16xf32>,
        %mul3A_882 = arith.constant 4 : i32
        %mul3A_883 = arith.muli %scan3A_849, %mul3A_882 : i32
        %add3A_884 = arith.constant 2 : i32
        %add3A_885 = arith.addi %mul3A_883, %add3A_884 : i32
        %get3A_886 = arith.index_cast %add3A_885 : i32 to index
        %get3A_887 = arith.constant 0 : index
        %get3A_888 = tpu.vector_load %arg9[%get3A_886, %get3A_887] {strides = array<i32>} : memref<512x32xf32, #tpu.memory_space<vmem>>, vector<16xf32>,
        %get3A_889 = arith.index_cast %add3A_885 : i32 to index
        %get3A_890 = arith.constant 16 : index
        %get3A_891 = tpu.vector_load %arg9[%get3A_889, %get3A_890] {strides = array<i32>} : memref<512x32xf32, #tpu.memory_space<vmem>>, vector<16xf32>,
        %broadcast_in_dim3A_892 = arith.constant 0 : i32
        %broadcast_in_dim3A_893 = vector.broadcast %broadcast_in_dim3A_892 : i32 to vector<16xi32>
        %add3A_894 = vector.broadcast %add3A_885 : i32 to vector<16xi32>
        %add3A_895 = arith.addi %broadcast_in_dim3A_893, %add3A_894 : vector<16xi32>
        tpu.vector_store_idx %arg11[%iota3A, %add3A_895], %get3A_888 : memref<32x512xf32, #tpu.memory_space<vmem>>[vector<16xi32>, vector<16xi32>], vector<16xf32>,
        %add3A_896 = arith.constant 16 : i32
        %add3A_897 = vector.broadcast %add3A_896 : i32 to vector<16xi32>
        %add3A_898 = arith.addi %iota3A, %add3A_897 : vector<16xi32>
        tpu.vector_store_idx %arg11[%add3A_898, %add3A_895], %get3A_891 : memref<32x512xf32, #tpu.memory_space<vmem>>[vector<16xi32>, vector<16xi32>], vector<16xf32>,
        %mul3A_899 = arith.constant 4 : i32
        %mul3A_900 = arith.muli %scan3A_849, %mul3A_899 : i32
        %add3A_901 = arith.constant 3 : i32
        %add3A_902 = arith.addi %mul3A_900, %add3A_901 : i32
        %get3A_903 = arith.index_cast %add3A_902 : i32 to index
        %get3A_904 = arith.constant 0 : index
        %get3A_905 = tpu.vector_load %arg9[%get3A_903, %get3A_904] {strides = array<i32>} : memref<512x32xf32, #tpu.memory_space<vmem>>, vector<16xf32>,
        %get3A_906 = arith.index_cast %add3A_902 : i32 to index
        %get3A_907 = arith.constant 16 : index
        %get3A_908 = tpu.vector_load %arg9[%get3A_906, %get3A_907] {strides = array<i32>} : memref<512x32xf32, #tpu.memory_space<vmem>>, vector<16xf32>,
        %broadcast_in_dim3A_909 = arith.constant 0 : i32
        %broadcast_in_dim3A_910 = vector.broadcast %broadcast_in_dim3A_909 : i32 to vector<16xi32>
        %add3A_911 = vector.broadcast %add3A_902 : i32 to vector<16xi32>
        %add3A_912 = arith.addi %broadcast_in_dim3A_910, %add3A_911 : vector<16xi32>
        tpu.vector_store_idx %arg11[%iota3A, %add3A_912], %get3A_905 : memref<32x512xf32, #tpu.memory_space<vmem>>[vector<16xi32>, vector<16xi32>], vector<16xf32>,
        %add3A_913 = arith.constant 16 : i32
        %add3A_914 = vector.broadcast %add3A_913 : i32 to vector<16xi32>
        %add3A_915 = arith.addi %iota3A, %add3A_914 : vector<16xi32>
        tpu.vector_store_idx %arg11[%add3A_915, %add3A_912], %get3A_908 : memref<32x512xf32, #tpu.memory_space<vmem>>[vector<16xi32>, vector<16xi32>], vector<16xf32>,
      }
      %scan3A_837 = arith.constant 128 : i32
      %dma_start3A_838 = arith.constant 0 : i32
      %dma_start3A_839 = tpu.memref_slice %arg4[%add3A_823, %dma_start3A_838, %mul3A_2] : memref<50x32x16384xf32, #tpu.memory_space<hbm>> -> memref<1x32x512xf32, #tpu.memory_space<hbm>>
      %dma_start3A_840 = tpu.memref_squeeze %dma_start3A_839 : memref<1x32x512xf32, #tpu.memory_space<hbm>> -> memref<32x512xf32, #tpu.memory_space<hbm>>
      %dma_start3A_841 = arith.constant 0 : i32
      %dma_start3A_842 = tpu.memref_slice %arg4[%add3A_823, %dma_start3A_841, %mul3A_2] : memref<50x32x16384xf32, #tpu.memory_space<hbm>> -> memref<1x32x512xf32, #tpu.memory_space<hbm>>
      %dma_start3A_843 = tpu.memref_squeeze %dma_start3A_842 : memref<1x32x512xf32, #tpu.memory_space<hbm>> -> memref<32x512xf32, #tpu.memory_space<hbm>>
      tpu.enqueue_dma source(%arg11 : memref<32x512xf32, #tpu.memory_space<vmem>>) target(%dma_start3A_843 : memref<32x512xf32, #tpu.memory_space<hbm>>) target_semaphore(%arg15 : memref<!tpu.dma_semaphore, #tpu.memory_space<semaphore_mem>>)
      %lt3A_844 = arith.constant 24 : i32
      %lt3A_845 = arith.cmpi slt, %scan3A_794, %lt3A_844 : i32
      %convert_element_type3A_846 = arith.extui %lt3A_845 : i1 to i32
      %cond3A_847 = arith.constant 0 : i32
      %cond3A_848 = arith.cmpi ne, %convert_element_type3A_846, %cond3A_847 : i32
      scf.if %cond3A_848 {
        %add3A_849 = arith.constant 2 : i32
        %add3A_850 = arith.addi %add3A_823, %add3A_849 : i32
        %add3A_851 = arith.constant 0 : i32
        %add3A_852 = vector.broadcast %add3A_851 : i32 to vector<16xi32>
        %add3A_853 = arith.addi %iota3A, %add3A_852 : vector<16xi32>
        %mul3A_854 = arith.constant 50 : i32
        %mul3A_855 = vector.broadcast %mul3A_854 : i32 to vector<16xi32>
        %mul3A_856 = arith.muli %add3A_853, %mul3A_855 : vector<16xi32>
        %add3A_857 = vector.broadcast %add3A_850 : i32 to vector<16xi32>
        %add3A_858 = arith.addi %mul3A_856, %add3A_857 : vector<16xi32>
        %gather3A_859 = tpu.vector_load_idx %arg5[%add3A_858] : memref<25600xi32, #tpu.memory_space<vmem>>[vector<16xi32>], vector<16xi32>,
        %swap3A_860 = arith.constant 0 : index
        %swap3A_861 = tpu.vector_load %arg7[%swap3A_860] {strides = array<i32>} : memref<512xi32, #tpu.memory_space<vmem>>, vector<16xi32>,
        tpu.vector_store %arg7[%swap3A_860], %gather3A_859 {strides = array<i32>} : memref<512xi32, #tpu.memory_space<vmem>>, vector<16xi32>,
        %add3A_862 = arith.constant 16 : i32
        %add3A_863 = vector.broadcast %add3A_862 : i32 to vector<16xi32>
        %add3A_864 = arith.addi %iota3A, %add3A_863 : vector<16xi32>
        %mul3A_865 = arith.constant 50 : i32
        %mul3A_866 = vector.broadcast %mul3A_865 : i32 to vector<16xi32>
        %mul3A_867 = arith.muli %add3A_864, %mul3A_866 : vector<16xi32>
        %add3A_868 = vector.broadcast %add3A_850 : i32 to vector<16xi32>
        %add3A_869 = arith.addi %mul3A_867, %add3A_868 : vector<16xi32>
        %gather3A_870 = tpu.vector_load_idx %arg5[%add3A_869] : memref<25600xi32, #tpu.memory_space<vmem>>[vector<16xi32>], vector<16xi32>,
        %swap3A_871 = arith.constant 16 : index
        %swap3A_872 = tpu.vector_load %arg7[%swap3A_871] {strides = array<i32>} : memref<512xi32, #tpu.memory_space<vmem>>, vector<16xi32>,
        tpu.vector_store %arg7[%swap3A_871], %gather3A_870 {strides = array<i32>} : memref<512xi32, #tpu.memory_space<vmem>>, vector<16xi32>,
        %add3A_873 = arith.constant 32 : i32
        %add3A_874 = vector.broadcast %add3A_873 : i32 to vector<16xi32>
        %add3A_875 = arith.addi %iota3A, %add3A_874 : vector<16xi32>
        %mul3A_876 = arith.constant 50 : i32
        %mul3A_877 = vector.broadcast %mul3A_876 : i32 to vector<16xi32>
        %mul3A_878 = arith.muli %add3A_875, %mul3A_877 : vector<16xi32>
        %add3A_879 = vector.broadcast %add3A_850 : i32 to vector<16xi32>
        %add3A_880 = arith.addi %mul3A_878, %add3A_879 : vector<16xi32>
        %gather3A_881 = tpu.vector_load_idx %arg5[%add3A_880] : memref<25600xi32, #tpu.memory_space<vmem>>[vector<16xi32>], vector<16xi32>,
        %swap3A_882 = arith.constant 32 : index
        %swap3A_883 = tpu.vector_load %arg7[%swap3A_882] {strides = array<i32>} : memref<512xi32, #tpu.memory_space<vmem>>, vector<16xi32>,
        tpu.vector_store %arg7[%swap3A_882], %gather3A_881 {strides = array<i32>} : memref<512xi32, #tpu.memory_space<vmem>>, vector<16xi32>,
        %add3A_884 = arith.constant 48 : i32
        %add3A_885 = vector.broadcast %add3A_884 : i32 to vector<16xi32>
        %add3A_886 = arith.addi %iota3A, %add3A_885 : vector<16xi32>
        %mul3A_887 = arith.constant 50 : i32
        %mul3A_888 = vector.broadcast %mul3A_887 : i32 to vector<16xi32>
        %mul3A_889 = arith.muli %add3A_886, %mul3A_888 : vector<16xi32>
        %add3A_890 = vector.broadcast %add3A_850 : i32 to vector<16xi32>
        %add3A_891 = arith.addi %mul3A_889, %add3A_890 : vector<16xi32>
        %gather3A_892 = tpu.vector_load_idx %arg5[%add3A_891] : memref<25600xi32, #tpu.memory_space<vmem>>[vector<16xi32>], vector<16xi32>,
        %swap3A_893 = arith.constant 48 : index
        %swap3A_894 = tpu.vector_load %arg7[%swap3A_893] {strides = array<i32>} : memref<512xi32, #tpu.memory_space<vmem>>, vector<16xi32>,
        tpu.vector_store %arg7[%swap3A_893], %gather3A_892 {strides = array<i32>} : memref<512xi32, #tpu.memory_space<vmem>>, vector<16xi32>,
        %add3A_895 = arith.constant 64 : i32
        %add3A_896 = vector.broadcast %add3A_895 : i32 to vector<16xi32>
        %add3A_897 = arith.addi %iota3A, %add3A_896 : vector<16xi32>
        %mul3A_898 = arith.constant 50 : i32
        %mul3A_899 = vector.broadcast %mul3A_898 : i32 to vector<16xi32>
        %mul3A_900 = arith.muli %add3A_897, %mul3A_899 : vector<16xi32>
        %add3A_901 = vector.broadcast %add3A_850 : i32 to vector<16xi32>
        %add3A_902 = arith.addi %mul3A_900, %add3A_901 : vector<16xi32>
        %gather3A_903 = tpu.vector_load_idx %arg5[%add3A_902] : memref<25600xi32, #tpu.memory_space<vmem>>[vector<16xi32>], vector<16xi32>,
        %swap3A_904 = arith.constant 64 : index
        %swap3A_905 = tpu.vector_load %arg7[%swap3A_904] {strides = array<i32>} : memref<512xi32, #tpu.memory_space<vmem>>, vector<16xi32>,
        tpu.vector_store %arg7[%swap3A_904], %gather3A_903 {strides = array<i32>} : memref<512xi32, #tpu.memory_space<vmem>>, vector<16xi32>,
        %add3A_906 = arith.constant 80 : i32
        %add3A_907 = vector.broadcast %add3A_906 : i32 to vector<16xi32>
        %add3A_908 = arith.addi %iota3A, %add3A_907 : vector<16xi32>
        %mul3A_909 = arith.constant 50 : i32
        %mul3A_910 = vector.broadcast %mul3A_909 : i32 to vector<16xi32>
        %mul3A_911 = arith.muli %add3A_908, %mul3A_910 : vector<16xi32>
        %add3A_912 = vector.broadcast %add3A_850 : i32 to vector<16xi32>
        %add3A_913 = arith.addi %mul3A_911, %add3A_912 : vector<16xi32>
        %gather3A_914 = tpu.vector_load_idx %arg5[%add3A_913] : memref<25600xi32, #tpu.memory_space<vmem>>[vector<16xi32>], vector<16xi32>,
        %swap3A_915 = arith.constant 80 : index
        %swap3A_916 = tpu.vector_load %arg7[%swap3A_915] {strides = array<i32>} : memref<512xi32, #tpu.memory_space<vmem>>, vector<16xi32>,
        tpu.vector_store %arg7[%swap3A_915], %gather3A_914 {strides = array<i32>} : memref<512xi32, #tpu.memory_space<vmem>>, vector<16xi32>,
        %add3A_917 = arith.constant 96 : i32
        %add3A_918 = vector.broadcast %add3A_917 : i32 to vector<16xi32>
        %add3A_919 = arith.addi %iota3A, %add3A_918 : vector<16xi32>
        %mul3A_920 = arith.constant 50 : i32
        %mul3A_921 = vector.broadcast %mul3A_920 : i32 to vector<16xi32>
        %mul3A_922 = arith.muli %add3A_919, %mul3A_921 : vector<16xi32>
        %add3A_923 = vector.broadcast %add3A_850 : i32 to vector<16xi32>
        %add3A_924 = arith.addi %mul3A_922, %add3A_923 : vector<16xi32>
        %gather3A_925 = tpu.vector_load_idx %arg5[%add3A_924] : memref<25600xi32, #tpu.memory_space<vmem>>[vector<16xi32>], vector<16xi32>,
        %swap3A_926 = arith.constant 96 : index
        %swap3A_927 = tpu.vector_load %arg7[%swap3A_926] {strides = array<i32>} : memref<512xi32, #tpu.memory_space<vmem>>, vector<16xi32>,
        tpu.vector_store %arg7[%swap3A_926], %gather3A_925 {strides = array<i32>} : memref<512xi32, #tpu.memory_space<vmem>>, vector<16xi32>,
        %add3A_928 = arith.constant 112 : i32
        %add3A_929 = vector.broadcast %add3A_928 : i32 to vector<16xi32>
        %add3A_930 = arith.addi %iota3A, %add3A_929 : vector<16xi32>
        %mul3A_931 = arith.constant 50 : i32
        %mul3A_932 = vector.broadcast %mul3A_931 : i32 to vector<16xi32>
        %mul3A_933 = arith.muli %add3A_930, %mul3A_932 : vector<16xi32>
        %add3A_934 = vector.broadcast %add3A_850 : i32 to vector<16xi32>
        %add3A_935 = arith.addi %mul3A_933, %add3A_934 : vector<16xi32>
        %gather3A_936 = tpu.vector_load_idx %arg5[%add3A_935] : memref<25600xi32, #tpu.memory_space<vmem>>[vector<16xi32>], vector<16xi32>,
        %swap3A_937 = arith.constant 112 : index
        %swap3A_938 = tpu.vector_load %arg7[%swap3A_937] {strides = array<i32>} : memref<512xi32, #tpu.memory_space<vmem>>, vector<16xi32>,
        tpu.vector_store %arg7[%swap3A_937], %gather3A_936 {strides = array<i32>} : memref<512xi32, #tpu.memory_space<vmem>>, vector<16xi32>,
        %add3A_939 = arith.constant 128 : i32
        %add3A_940 = vector.broadcast %add3A_939 : i32 to vector<16xi32>
        %add3A_941 = arith.addi %iota3A, %add3A_940 : vector<16xi32>
        %mul3A_942 = arith.constant 50 : i32
        %mul3A_943 = vector.broadcast %mul3A_942 : i32 to vector<16xi32>
        %mul3A_944 = arith.muli %add3A_941, %mul3A_943 : vector<16xi32>
        %add3A_945 = vector.broadcast %add3A_850 : i32 to vector<16xi32>
        %add3A_946 = arith.addi %mul3A_944, %add3A_945 : vector<16xi32>
        %gather3A_947 = tpu.vector_load_idx %arg5[%add3A_946] : memref<25600xi32, #tpu.memory_space<vmem>>[vector<16xi32>], vector<16xi32>,
        %swap3A_948 = arith.constant 128 : index
        %swap3A_949 = tpu.vector_load %arg7[%swap3A_948] {strides = array<i32>} : memref<512xi32, #tpu.memory_space<vmem>>, vector<16xi32>,
        tpu.vector_store %arg7[%swap3A_948], %gather3A_947 {strides = array<i32>} : memref<512xi32, #tpu.memory_space<vmem>>, vector<16xi32>,
        %add3A_950 = arith.constant 144 : i32
        %add3A_951 = vector.broadcast %add3A_950 : i32 to vector<16xi32>
        %add3A_952 = arith.addi %iota3A, %add3A_951 : vector<16xi32>
        %mul3A_953 = arith.constant 50 : i32
        %mul3A_954 = vector.broadcast %mul3A_953 : i32 to vector<16xi32>
        %mul3A_955 = arith.muli %add3A_952, %mul3A_954 : vector<16xi32>
        %add3A_956 = vector.broadcast %add3A_850 : i32 to vector<16xi32>
        %add3A_957 = arith.addi %mul3A_955, %add3A_956 : vector<16xi32>
        %gather3A_958 = tpu.vector_load_idx %arg5[%add3A_957] : memref<25600xi32, #tpu.memory_space<vmem>>[vector<16xi32>], vector<16xi32>,
        %swap3A_959 = arith.constant 144 : index
        %swap3A_960 = tpu.vector_load %arg7[%swap3A_959] {strides = array<i32>} : memref<512xi32, #tpu.memory_space<vmem>>, vector<16xi32>,
        tpu.vector_store %arg7[%swap3A_959], %gather3A_958 {strides = array<i32>} : memref<512xi32, #tpu.memory_space<vmem>>, vector<16xi32>,
        %add3A_961 = arith.constant 160 : i32
        %add3A_962 = vector.broadcast %add3A_961 : i32 to vector<16xi32>
        %add3A_963 = arith.addi %iota3A, %add3A_962 : vector<16xi32>
        %mul3A_964 = arith.constant 50 : i32
        %mul3A_965 = vector.broadcast %mul3A_964 : i32 to vector<16xi32>
        %mul3A_966 = arith.muli %add3A_963, %mul3A_965 : vector<16xi32>
        %add3A_967 = vector.broadcast %add3A_850 : i32 to vector<16xi32>
        %add3A_968 = arith.addi %mul3A_966, %add3A_967 : vector<16xi32>
        %gather3A_969 = tpu.vector_load_idx %arg5[%add3A_968] : memref<25600xi32, #tpu.memory_space<vmem>>[vector<16xi32>], vector<16xi32>,
        %swap3A_970 = arith.constant 160 : index
        %swap3A_971 = tpu.vector_load %arg7[%swap3A_970] {strides = array<i32>} : memref<512xi32, #tpu.memory_space<vmem>>, vector<16xi32>,
        tpu.vector_store %arg7[%swap3A_970], %gather3A_969 {strides = array<i32>} : memref<512xi32, #tpu.memory_space<vmem>>, vector<16xi32>,
        %add3A_972 = arith.constant 176 : i32
        %add3A_973 = vector.broadcast %add3A_972 : i32 to vector<16xi32>
        %add3A_974 = arith.addi %iota3A, %add3A_973 : vector<16xi32>
        %mul3A_975 = arith.constant 50 : i32
        %mul3A_976 = vector.broadcast %mul3A_975 : i32 to vector<16xi32>
        %mul3A_977 = arith.muli %add3A_974, %mul3A_976 : vector<16xi32>
        %add3A_978 = vector.broadcast %add3A_850 : i32 to vector<16xi32>
        %add3A_979 = arith.addi %mul3A_977, %add3A_978 : vector<16xi32>
        %gather3A_980 = tpu.vector_load_idx %arg5[%add3A_979] : memref<25600xi32, #tpu.memory_space<vmem>>[vector<16xi32>], vector<16xi32>,
        %swap3A_981 = arith.constant 176 : index
        %swap3A_982 = tpu.vector_load %arg7[%swap3A_981] {strides = array<i32>} : memref<512xi32, #tpu.memory_space<vmem>>, vector<16xi32>,
        tpu.vector_store %arg7[%swap3A_981], %gather3A_980 {strides = array<i32>} : memref<512xi32, #tpu.memory_space<vmem>>, vector<16xi32>,
        %add3A_983 = arith.constant 192 : i32
        %add3A_984 = vector.broadcast %add3A_983 : i32 to vector<16xi32>
        %add3A_985 = arith.addi %iota3A, %add3A_984 : vector<16xi32>
        %mul3A_986 = arith.constant 50 : i32
        %mul3A_987 = vector.broadcast %mul3A_986 : i32 to vector<16xi32>
        %mul3A_988 = arith.muli %add3A_985, %mul3A_987 : vector<16xi32>
        %add3A_989 = vector.broadcast %add3A_850 : i32 to vector<16xi32>
        %add3A_990 = arith.addi %mul3A_988, %add3A_989 : vector<16xi32>
        %gather3A_991 = tpu.vector_load_idx %arg5[%add3A_990] : memref<25600xi32, #tpu.memory_space<vmem>>[vector<16xi32>], vector<16xi32>,
        %swap3A_992 = arith.constant 192 : index
        %swap3A_993 = tpu.vector_load %arg7[%swap3A_992] {strides = array<i32>} : memref<512xi32, #tpu.memory_space<vmem>>, vector<16xi32>,
        tpu.vector_store %arg7[%swap3A_992], %gather3A_991 {strides = array<i32>} : memref<512xi32, #tpu.memory_space<vmem>>, vector<16xi32>,
        %add3A_994 = arith.constant 208 : i32
        %add3A_995 = vector.broadcast %add3A_994 : i32 to vector<16xi32>
        %add3A_996 = arith.addi %iota3A, %add3A_995 : vector<16xi32>
        %mul3A_997 = arith.constant 50 : i32
        %mul3A_998 = vector.broadcast %mul3A_997 : i32 to vector<16xi32>
        %mul3A_999 = arith.muli %add3A_996, %mul3A_998 : vector<16xi32>
        %add3A_1000 = vector.broadcast %add3A_850 : i32 to vector<16xi32>
        %add3A_1001 = arith.addi %mul3A_999, %add3A_1000 : vector<16xi32>
        %gather3A_1002 = tpu.vector_load_idx %arg5[%add3A_1001] : memref<25600xi32, #tpu.memory_space<vmem>>[vector<16xi32>], vector<16xi32>,
        %swap3A_1003 = arith.constant 208 : index
        %swap3A_1004 = tpu.vector_load %arg7[%swap3A_1003] {strides = array<i32>} : memref<512xi32, #tpu.memory_space<vmem>>, vector<16xi32>,
        tpu.vector_store %arg7[%swap3A_1003], %gather3A_1002 {strides = array<i32>} : memref<512xi32, #tpu.memory_space<vmem>>, vector<16xi32>,
        %add3A_1005 = arith.constant 224 : i32
        %add3A_1006 = vector.broadcast %add3A_1005 : i32 to vector<16xi32>
        %add3A_1007 = arith.addi %iota3A, %add3A_1006 : vector<16xi32>
        %mul3A_1008 = arith.constant 50 : i32
        %mul3A_1009 = vector.broadcast %mul3A_1008 : i32 to vector<16xi32>
        %mul3A_1010 = arith.muli %add3A_1007, %mul3A_1009 : vector<16xi32>
        %add3A_1011 = vector.broadcast %add3A_850 : i32 to vector<16xi32>
        %add3A_1012 = arith.addi %mul3A_1010, %add3A_1011 : vector<16xi32>
        %gather3A_1013 = tpu.vector_load_idx %arg5[%add3A_1012] : memref<25600xi32, #tpu.memory_space<vmem>>[vector<16xi32>], vector<16xi32>,
        %swap3A_1014 = arith.constant 224 : index
        %swap3A_1015 = tpu.vector_load %arg7[%swap3A_1014] {strides = array<i32>} : memref<512xi32, #tpu.memory_space<vmem>>, vector<16xi32>,
        tpu.vector_store %arg7[%swap3A_1014], %gather3A_1013 {strides = array<i32>} : memref<512xi32, #tpu.memory_space<vmem>>, vector<16xi32>,
        %add3A_1016 = arith.constant 240 : i32
        %add3A_1017 = vector.broadcast %add3A_1016 : i32 to vector<16xi32>
        %add3A_1018 = arith.addi %iota3A, %add3A_1017 : vector<16xi32>
        %mul3A_1019 = arith.constant 50 : i32
        %mul3A_1020 = vector.broadcast %mul3A_1019 : i32 to vector<16xi32>
        %mul3A_1021 = arith.muli %add3A_1018, %mul3A_1020 : vector<16xi32>
        %add3A_1022 = vector.broadcast %add3A_850 : i32 to vector<16xi32>
        %add3A_1023 = arith.addi %mul3A_1021, %add3A_1022 : vector<16xi32>
        %gather3A_1024 = tpu.vector_load_idx %arg5[%add3A_1023] : memref<25600xi32, #tpu.memory_space<vmem>>[vector<16xi32>], vector<16xi32>,
        %swap3A_1025 = arith.constant 240 : index
        %swap3A_1026 = tpu.vector_load %arg7[%swap3A_1025] {strides = array<i32>} : memref<512xi32, #tpu.memory_space<vmem>>, vector<16xi32>,
        tpu.vector_store %arg7[%swap3A_1025], %gather3A_1024 {strides = array<i32>} : memref<512xi32, #tpu.memory_space<vmem>>, vector<16xi32>,
        %add3A_1027 = arith.constant 256 : i32
        %add3A_1028 = vector.broadcast %add3A_1027 : i32 to vector<16xi32>
        %add3A_1029 = arith.addi %iota3A, %add3A_1028 : vector<16xi32>
        %mul3A_1030 = arith.constant 50 : i32
        %mul3A_1031 = vector.broadcast %mul3A_1030 : i32 to vector<16xi32>
        %mul3A_1032 = arith.muli %add3A_1029, %mul3A_1031 : vector<16xi32>
        %add3A_1033 = vector.broadcast %add3A_850 : i32 to vector<16xi32>
        %add3A_1034 = arith.addi %mul3A_1032, %add3A_1033 : vector<16xi32>
        %gather3A_1035 = tpu.vector_load_idx %arg5[%add3A_1034] : memref<25600xi32, #tpu.memory_space<vmem>>[vector<16xi32>], vector<16xi32>,
        %swap3A_1036 = arith.constant 256 : index
        %swap3A_1037 = tpu.vector_load %arg7[%swap3A_1036] {strides = array<i32>} : memref<512xi32, #tpu.memory_space<vmem>>, vector<16xi32>,
        tpu.vector_store %arg7[%swap3A_1036], %gather3A_1035 {strides = array<i32>} : memref<512xi32, #tpu.memory_space<vmem>>, vector<16xi32>,
        %add3A_1038 = arith.constant 272 : i32
        %add3A_1039 = vector.broadcast %add3A_1038 : i32 to vector<16xi32>
        %add3A_1040 = arith.addi %iota3A, %add3A_1039 : vector<16xi32>
        %mul3A_1041 = arith.constant 50 : i32
        %mul3A_1042 = vector.broadcast %mul3A_1041 : i32 to vector<16xi32>
        %mul3A_1043 = arith.muli %add3A_1040, %mul3A_1042 : vector<16xi32>
        %add3A_1044 = vector.broadcast %add3A_850 : i32 to vector<16xi32>
        %add3A_1045 = arith.addi %mul3A_1043, %add3A_1044 : vector<16xi32>
        %gather3A_1046 = tpu.vector_load_idx %arg5[%add3A_1045] : memref<25600xi32, #tpu.memory_space<vmem>>[vector<16xi32>], vector<16xi32>,
        %swap3A_1047 = arith.constant 272 : index
        %swap3A_1048 = tpu.vector_load %arg7[%swap3A_1047] {strides = array<i32>} : memref<512xi32, #tpu.memory_space<vmem>>, vector<16xi32>,
        tpu.vector_store %arg7[%swap3A_1047], %gather3A_1046 {strides = array<i32>} : memref<512xi32, #tpu.memory_space<vmem>>, vector<16xi32>,
        %add3A_1049 = arith.constant 288 : i32
        %add3A_1050 = vector.broadcast %add3A_1049 : i32 to vector<16xi32>
        %add3A_1051 = arith.addi %iota3A, %add3A_1050 : vector<16xi32>
        %mul3A_1052 = arith.constant 50 : i32
        %mul3A_1053 = vector.broadcast %mul3A_1052 : i32 to vector<16xi32>
        %mul3A_1054 = arith.muli %add3A_1051, %mul3A_1053 : vector<16xi32>
        %add3A_1055 = vector.broadcast %add3A_850 : i32 to vector<16xi32>
        %add3A_1056 = arith.addi %mul3A_1054, %add3A_1055 : vector<16xi32>
        %gather3A_1057 = tpu.vector_load_idx %arg5[%add3A_1056] : memref<25600xi32, #tpu.memory_space<vmem>>[vector<16xi32>], vector<16xi32>,
        %swap3A_1058 = arith.constant 288 : index
        %swap3A_1059 = tpu.vector_load %arg7[%swap3A_1058] {strides = array<i32>} : memref<512xi32, #tpu.memory_space<vmem>>, vector<16xi32>,
        tpu.vector_store %arg7[%swap3A_1058], %gather3A_1057 {strides = array<i32>} : memref<512xi32, #tpu.memory_space<vmem>>, vector<16xi32>,
        %add3A_1060 = arith.constant 304 : i32
        %add3A_1061 = vector.broadcast %add3A_1060 : i32 to vector<16xi32>
        %add3A_1062 = arith.addi %iota3A, %add3A_1061 : vector<16xi32>
        %mul3A_1063 = arith.constant 50 : i32
        %mul3A_1064 = vector.broadcast %mul3A_1063 : i32 to vector<16xi32>
        %mul3A_1065 = arith.muli %add3A_1062, %mul3A_1064 : vector<16xi32>
        %add3A_1066 = vector.broadcast %add3A_850 : i32 to vector<16xi32>
        %add3A_1067 = arith.addi %mul3A_1065, %add3A_1066 : vector<16xi32>
        %gather3A_1068 = tpu.vector_load_idx %arg5[%add3A_1067] : memref<25600xi32, #tpu.memory_space<vmem>>[vector<16xi32>], vector<16xi32>,
        %swap3A_1069 = arith.constant 304 : index
        %swap3A_1070 = tpu.vector_load %arg7[%swap3A_1069] {strides = array<i32>} : memref<512xi32, #tpu.memory_space<vmem>>, vector<16xi32>,
        tpu.vector_store %arg7[%swap3A_1069], %gather3A_1068 {strides = array<i32>} : memref<512xi32, #tpu.memory_space<vmem>>, vector<16xi32>,
        %add3A_1071 = arith.constant 320 : i32
        %add3A_1072 = vector.broadcast %add3A_1071 : i32 to vector<16xi32>
        %add3A_1073 = arith.addi %iota3A, %add3A_1072 : vector<16xi32>
        %mul3A_1074 = arith.constant 50 : i32
        %mul3A_1075 = vector.broadcast %mul3A_1074 : i32 to vector<16xi32>
        %mul3A_1076 = arith.muli %add3A_1073, %mul3A_1075 : vector<16xi32>
        %add3A_1077 = vector.broadcast %add3A_850 : i32 to vector<16xi32>
        %add3A_1078 = arith.addi %mul3A_1076, %add3A_1077 : vector<16xi32>
        %gather3A_1079 = tpu.vector_load_idx %arg5[%add3A_1078] : memref<25600xi32, #tpu.memory_space<vmem>>[vector<16xi32>], vector<16xi32>,
        %swap3A_1080 = arith.constant 320 : index
        %swap3A_1081 = tpu.vector_load %arg7[%swap3A_1080] {strides = array<i32>} : memref<512xi32, #tpu.memory_space<vmem>>, vector<16xi32>,
        tpu.vector_store %arg7[%swap3A_1080], %gather3A_1079 {strides = array<i32>} : memref<512xi32, #tpu.memory_space<vmem>>, vector<16xi32>,
        %add3A_1082 = arith.constant 336 : i32
        %add3A_1083 = vector.broadcast %add3A_1082 : i32 to vector<16xi32>
        %add3A_1084 = arith.addi %iota3A, %add3A_1083 : vector<16xi32>
        %mul3A_1085 = arith.constant 50 : i32
        %mul3A_1086 = vector.broadcast %mul3A_1085 : i32 to vector<16xi32>
        %mul3A_1087 = arith.muli %add3A_1084, %mul3A_1086 : vector<16xi32>
        %add3A_1088 = vector.broadcast %add3A_850 : i32 to vector<16xi32>
        %add3A_1089 = arith.addi %mul3A_1087, %add3A_1088 : vector<16xi32>
        %gather3A_1090 = tpu.vector_load_idx %arg5[%add3A_1089] : memref<25600xi32, #tpu.memory_space<vmem>>[vector<16xi32>], vector<16xi32>,
        %swap3A_1091 = arith.constant 336 : index
        %swap3A_1092 = tpu.vector_load %arg7[%swap3A_1091] {strides = array<i32>} : memref<512xi32, #tpu.memory_space<vmem>>, vector<16xi32>,
        tpu.vector_store %arg7[%swap3A_1091], %gather3A_1090 {strides = array<i32>} : memref<512xi32, #tpu.memory_space<vmem>>, vector<16xi32>,
        %add3A_1093 = arith.constant 352 : i32
        %add3A_1094 = vector.broadcast %add3A_1093 : i32 to vector<16xi32>
        %add3A_1095 = arith.addi %iota3A, %add3A_1094 : vector<16xi32>
        %mul3A_1096 = arith.constant 50 : i32
        %mul3A_1097 = vector.broadcast %mul3A_1096 : i32 to vector<16xi32>
        %mul3A_1098 = arith.muli %add3A_1095, %mul3A_1097 : vector<16xi32>
        %add3A_1099 = vector.broadcast %add3A_850 : i32 to vector<16xi32>
        %add3A_1100 = arith.addi %mul3A_1098, %add3A_1099 : vector<16xi32>
        %gather3A_1101 = tpu.vector_load_idx %arg5[%add3A_1100] : memref<25600xi32, #tpu.memory_space<vmem>>[vector<16xi32>], vector<16xi32>,
        %swap3A_1102 = arith.constant 352 : index
        %swap3A_1103 = tpu.vector_load %arg7[%swap3A_1102] {strides = array<i32>} : memref<512xi32, #tpu.memory_space<vmem>>, vector<16xi32>,
        tpu.vector_store %arg7[%swap3A_1102], %gather3A_1101 {strides = array<i32>} : memref<512xi32, #tpu.memory_space<vmem>>, vector<16xi32>,
        %add3A_1104 = arith.constant 368 : i32
        %add3A_1105 = vector.broadcast %add3A_1104 : i32 to vector<16xi32>
        %add3A_1106 = arith.addi %iota3A, %add3A_1105 : vector<16xi32>
        %mul3A_1107 = arith.constant 50 : i32
        %mul3A_1108 = vector.broadcast %mul3A_1107 : i32 to vector<16xi32>
        %mul3A_1109 = arith.muli %add3A_1106, %mul3A_1108 : vector<16xi32>
        %add3A_1110 = vector.broadcast %add3A_850 : i32 to vector<16xi32>
        %add3A_1111 = arith.addi %mul3A_1109, %add3A_1110 : vector<16xi32>
        %gather3A_1112 = tpu.vector_load_idx %arg5[%add3A_1111] : memref<25600xi32, #tpu.memory_space<vmem>>[vector<16xi32>], vector<16xi32>,
        %swap3A_1113 = arith.constant 368 : index
        %swap3A_1114 = tpu.vector_load %arg7[%swap3A_1113] {strides = array<i32>} : memref<512xi32, #tpu.memory_space<vmem>>, vector<16xi32>,
        tpu.vector_store %arg7[%swap3A_1113], %gather3A_1112 {strides = array<i32>} : memref<512xi32, #tpu.memory_space<vmem>>, vector<16xi32>,
        %add3A_1115 = arith.constant 384 : i32
        %add3A_1116 = vector.broadcast %add3A_1115 : i32 to vector<16xi32>
        %add3A_1117 = arith.addi %iota3A, %add3A_1116 : vector<16xi32>
        %mul3A_1118 = arith.constant 50 : i32
        %mul3A_1119 = vector.broadcast %mul3A_1118 : i32 to vector<16xi32>
        %mul3A_1120 = arith.muli %add3A_1117, %mul3A_1119 : vector<16xi32>
        %add3A_1121 = vector.broadcast %add3A_850 : i32 to vector<16xi32>
        %add3A_1122 = arith.addi %mul3A_1120, %add3A_1121 : vector<16xi32>
        %gather3A_1123 = tpu.vector_load_idx %arg5[%add3A_1122] : memref<25600xi32, #tpu.memory_space<vmem>>[vector<16xi32>], vector<16xi32>,
        %swap3A_1124 = arith.constant 384 : index
        %swap3A_1125 = tpu.vector_load %arg7[%swap3A_1124] {strides = array<i32>} : memref<512xi32, #tpu.memory_space<vmem>>, vector<16xi32>,
        tpu.vector_store %arg7[%swap3A_1124], %gather3A_1123 {strides = array<i32>} : memref<512xi32, #tpu.memory_space<vmem>>, vector<16xi32>,
        %add3A_1126 = arith.constant 400 : i32
        %add3A_1127 = vector.broadcast %add3A_1126 : i32 to vector<16xi32>
        %add3A_1128 = arith.addi %iota3A, %add3A_1127 : vector<16xi32>
        %mul3A_1129 = arith.constant 50 : i32
        %mul3A_1130 = vector.broadcast %mul3A_1129 : i32 to vector<16xi32>
        %mul3A_1131 = arith.muli %add3A_1128, %mul3A_1130 : vector<16xi32>
        %add3A_1132 = vector.broadcast %add3A_850 : i32 to vector<16xi32>
        %add3A_1133 = arith.addi %mul3A_1131, %add3A_1132 : vector<16xi32>
        %gather3A_1134 = tpu.vector_load_idx %arg5[%add3A_1133] : memref<25600xi32, #tpu.memory_space<vmem>>[vector<16xi32>], vector<16xi32>,
        %swap3A_1135 = arith.constant 400 : index
        %swap3A_1136 = tpu.vector_load %arg7[%swap3A_1135] {strides = array<i32>} : memref<512xi32, #tpu.memory_space<vmem>>, vector<16xi32>,
        tpu.vector_store %arg7[%swap3A_1135], %gather3A_1134 {strides = array<i32>} : memref<512xi32, #tpu.memory_space<vmem>>, vector<16xi32>,
        %add3A_1137 = arith.constant 416 : i32
        %add3A_1138 = vector.broadcast %add3A_1137 : i32 to vector<16xi32>
        %add3A_1139 = arith.addi %iota3A, %add3A_1138 : vector<16xi32>
        %mul3A_1140 = arith.constant 50 : i32
        %mul3A_1141 = vector.broadcast %mul3A_1140 : i32 to vector<16xi32>
        %mul3A_1142 = arith.muli %add3A_1139, %mul3A_1141 : vector<16xi32>
        %add3A_1143 = vector.broadcast %add3A_850 : i32 to vector<16xi32>
        %add3A_1144 = arith.addi %mul3A_1142, %add3A_1143 : vector<16xi32>
        %gather3A_1145 = tpu.vector_load_idx %arg5[%add3A_1144] : memref<25600xi32, #tpu.memory_space<vmem>>[vector<16xi32>], vector<16xi32>,
        %swap3A_1146 = arith.constant 416 : index
        %swap3A_1147 = tpu.vector_load %arg7[%swap3A_1146] {strides = array<i32>} : memref<512xi32, #tpu.memory_space<vmem>>, vector<16xi32>,
        tpu.vector_store %arg7[%swap3A_1146], %gather3A_1145 {strides = array<i32>} : memref<512xi32, #tpu.memory_space<vmem>>, vector<16xi32>,
        %add3A_1148 = arith.constant 432 : i32
        %add3A_1149 = vector.broadcast %add3A_1148 : i32 to vector<16xi32>
        %add3A_1150 = arith.addi %iota3A, %add3A_1149 : vector<16xi32>
        %mul3A_1151 = arith.constant 50 : i32
        %mul3A_1152 = vector.broadcast %mul3A_1151 : i32 to vector<16xi32>
        %mul3A_1153 = arith.muli %add3A_1150, %mul3A_1152 : vector<16xi32>
        %add3A_1154 = vector.broadcast %add3A_850 : i32 to vector<16xi32>
        %add3A_1155 = arith.addi %mul3A_1153, %add3A_1154 : vector<16xi32>
        %gather3A_1156 = tpu.vector_load_idx %arg5[%add3A_1155] : memref<25600xi32, #tpu.memory_space<vmem>>[vector<16xi32>], vector<16xi32>,
        %swap3A_1157 = arith.constant 432 : index
        %swap3A_1158 = tpu.vector_load %arg7[%swap3A_1157] {strides = array<i32>} : memref<512xi32, #tpu.memory_space<vmem>>, vector<16xi32>,
        tpu.vector_store %arg7[%swap3A_1157], %gather3A_1156 {strides = array<i32>} : memref<512xi32, #tpu.memory_space<vmem>>, vector<16xi32>,
        %add3A_1159 = arith.constant 448 : i32
        %add3A_1160 = vector.broadcast %add3A_1159 : i32 to vector<16xi32>
        %add3A_1161 = arith.addi %iota3A, %add3A_1160 : vector<16xi32>
        %mul3A_1162 = arith.constant 50 : i32
        %mul3A_1163 = vector.broadcast %mul3A_1162 : i32 to vector<16xi32>
        %mul3A_1164 = arith.muli %add3A_1161, %mul3A_1163 : vector<16xi32>
        %add3A_1165 = vector.broadcast %add3A_850 : i32 to vector<16xi32>
        %add3A_1166 = arith.addi %mul3A_1164, %add3A_1165 : vector<16xi32>
        %gather3A_1167 = tpu.vector_load_idx %arg5[%add3A_1166] : memref<25600xi32, #tpu.memory_space<vmem>>[vector<16xi32>], vector<16xi32>,
        %swap3A_1168 = arith.constant 448 : index
        %swap3A_1169 = tpu.vector_load %arg7[%swap3A_1168] {strides = array<i32>} : memref<512xi32, #tpu.memory_space<vmem>>, vector<16xi32>,
        tpu.vector_store %arg7[%swap3A_1168], %gather3A_1167 {strides = array<i32>} : memref<512xi32, #tpu.memory_space<vmem>>, vector<16xi32>,
        %add3A_1170 = arith.constant 464 : i32
        %add3A_1171 = vector.broadcast %add3A_1170 : i32 to vector<16xi32>
        %add3A_1172 = arith.addi %iota3A, %add3A_1171 : vector<16xi32>
        %mul3A_1173 = arith.constant 50 : i32
        %mul3A_1174 = vector.broadcast %mul3A_1173 : i32 to vector<16xi32>
        %mul3A_1175 = arith.muli %add3A_1172, %mul3A_1174 : vector<16xi32>
        %add3A_1176 = vector.broadcast %add3A_850 : i32 to vector<16xi32>
        %add3A_1177 = arith.addi %mul3A_1175, %add3A_1176 : vector<16xi32>
        %gather3A_1178 = tpu.vector_load_idx %arg5[%add3A_1177] : memref<25600xi32, #tpu.memory_space<vmem>>[vector<16xi32>], vector<16xi32>,
        %swap3A_1179 = arith.constant 464 : index
        %swap3A_1180 = tpu.vector_load %arg7[%swap3A_1179] {strides = array<i32>} : memref<512xi32, #tpu.memory_space<vmem>>, vector<16xi32>,
        tpu.vector_store %arg7[%swap3A_1179], %gather3A_1178 {strides = array<i32>} : memref<512xi32, #tpu.memory_space<vmem>>, vector<16xi32>,
        %add3A_1181 = arith.constant 480 : i32
        %add3A_1182 = vector.broadcast %add3A_1181 : i32 to vector<16xi32>
        %add3A_1183 = arith.addi %iota3A, %add3A_1182 : vector<16xi32>
        %mul3A_1184 = arith.constant 50 : i32
        %mul3A_1185 = vector.broadcast %mul3A_1184 : i32 to vector<16xi32>
        %mul3A_1186 = arith.muli %add3A_1183, %mul3A_1185 : vector<16xi32>
        %add3A_1187 = vector.broadcast %add3A_850 : i32 to vector<16xi32>
        %add3A_1188 = arith.addi %mul3A_1186, %add3A_1187 : vector<16xi32>
        %gather3A_1189 = tpu.vector_load_idx %arg5[%add3A_1188] : memref<25600xi32, #tpu.memory_space<vmem>>[vector<16xi32>], vector<16xi32>,
        %swap3A_1190 = arith.constant 480 : index
        %swap3A_1191 = tpu.vector_load %arg7[%swap3A_1190] {strides = array<i32>} : memref<512xi32, #tpu.memory_space<vmem>>, vector<16xi32>,
        tpu.vector_store %arg7[%swap3A_1190], %gather3A_1189 {strides = array<i32>} : memref<512xi32, #tpu.memory_space<vmem>>, vector<16xi32>,
        %add3A_1192 = arith.constant 496 : i32
        %add3A_1193 = vector.broadcast %add3A_1192 : i32 to vector<16xi32>
        %add3A_1194 = arith.addi %iota3A, %add3A_1193 : vector<16xi32>
        %mul3A_1195 = arith.constant 50 : i32
        %mul3A_1196 = vector.broadcast %mul3A_1195 : i32 to vector<16xi32>
        %mul3A_1197 = arith.muli %add3A_1194, %mul3A_1196 : vector<16xi32>
        %add3A_1198 = vector.broadcast %add3A_850 : i32 to vector<16xi32>
        %add3A_1199 = arith.addi %mul3A_1197, %add3A_1198 : vector<16xi32>
        %gather3A_1200 = tpu.vector_load_idx %arg5[%add3A_1199] : memref<25600xi32, #tpu.memory_space<vmem>>[vector<16xi32>], vector<16xi32>,
        %swap3A_1201 = arith.constant 496 : index
        %swap3A_1202 = tpu.vector_load %arg7[%swap3A_1201] {strides = array<i32>} : memref<512xi32, #tpu.memory_space<vmem>>, vector<16xi32>,
        tpu.vector_store %arg7[%swap3A_1201], %gather3A_1200 {strides = array<i32>} : memref<512xi32, #tpu.memory_space<vmem>>, vector<16xi32>,
        %dma_start3A_1203 = arith.constant 0 : i32
        %dma_start3A_1204 = arith.constant 0 : i32
        %dma_start3A_1205 = tpu.memref_slice %arg3[%dma_start3A_1203, %dma_start3A_1204] : memref<1000000x32xf32, #tpu.memory_space<hbm>> -> memref<1000000x32xf32, #tpu.memory_space<hbm>>
        tpu.enqueue_indirect_dma source(%dma_start3A_1205 : memref<1000000x32xf32, #tpu.memory_space<hbm>>) target(%arg9 : memref<512x32xf32, #tpu.memory_space<vmem>>) offsets(%arg7 : memref<512xi32, #tpu.memory_space<vmem>>) semaphore(%arg13 : memref<!tpu.dma_semaphore, #tpu.memory_space<semaphore_mem>>)
      } else {
      }
    }
    %scan3A_780 = arith.constant 25 : i32
    %dma_wait3A = arith.constant 48 : i32
    %dma_wait3A_781 = arith.constant 0 : i32
    %dma_wait3A_782 = tpu.memref_slice %arg4[%dma_wait3A, %dma_wait3A_781, %mul3A_2] : memref<50x32x16384xf32, #tpu.memory_space<hbm>> -> memref<1x32x512xf32, #tpu.memory_space<hbm>>
    %dma_wait3A_783 = tpu.memref_squeeze %dma_wait3A_782 : memref<1x32x512xf32, #tpu.memory_space<hbm>> -> memref<32x512xf32, #tpu.memory_space<hbm>>
    %dma_wait3A_784 = arith.constant 0 : i32
    %dma_wait3A_785 = tpu.memref_slice %arg4[%dma_wait3A, %dma_wait3A_784, %mul3A_2] : memref<50x32x16384xf32, #tpu.memory_space<hbm>> -> memref<1x32x512xf32, #tpu.memory_space<hbm>>
    %dma_wait3A_786 = tpu.memref_squeeze %dma_wait3A_785 : memref<1x32x512xf32, #tpu.memory_space<hbm>> -> memref<32x512xf32, #tpu.memory_space<hbm>>
    tpu.wait_dma2 semaphore(%arg14 : memref<!tpu.dma_semaphore, #tpu.memory_space<semaphore_mem>>) src(%arg10 : memref<32x512xf32, #tpu.memory_space<vmem>>) dst(%dma_wait3A_786 : memref<32x512xf32, #tpu.memory_space<hbm>>)
    %dma_wait3A_787 = arith.constant 49 : i32
    %dma_wait3A_788 = arith.constant 0 : i32
    %dma_wait3A_789 = tpu.memref_slice %arg4[%dma_wait3A_787, %dma_wait3A_788, %mul3A_2] : memref<50x32x16384xf32, #tpu.memory_space<hbm>> -> memref<1x32x512xf32, #tpu.memory_space<hbm>>
    %dma_wait3A_790 = tpu.memref_squeeze %dma_wait3A_789 : memref<1x32x512xf32, #tpu.memory_space<hbm>> -> memref<32x512xf32, #tpu.memory_space<hbm>>
    %dma_wait3A_791 = arith.constant 0 : i32
    %dma_wait3A_792 = tpu.memref_slice %arg4[%dma_wait3A_787, %dma_wait3A_791, %mul3A_2] : memref<50x32x16384xf32, #tpu.memory_space<hbm>> -> memref<1x32x512xf32, #tpu.memory_space<hbm>>
    %dma_wait3A_793 = tpu.memref_squeeze %dma_wait3A_792 : memref<1x32x512xf32, #tpu.memory_space<hbm>> -> memref<32x512xf32, #tpu.memory_space<hbm>>
    tpu.wait_dma2 semaphore(%arg15 : memref<!tpu.dma_semaphore, #tpu.memory_space<semaphore_mem>>) src(%arg11 : memref<32x512xf32, #tpu.memory_space<vmem>>) dst(%dma_wait3A_793 : memref<32x512xf32, #tpu.memory_space<hbm>>)
    return
  }
}

</mosaic_0001>

<sc_bundles>
// kernel: kernel.3.cloned.1.call-start
scs
__scs_entry_jumppad:
0x0: {  	(pc) =	sbr.rel $0x88, $3  }
0x1: {  	(tag) =	ssettag $0x0;
	lr =	simm.s32 $0x1  }
0x2: {  	[smem:$0x3F9F] =	sst lr;
	_ =	strace $0xD0000000  }
0x3: {  	_ = 	snop  }
0x4: {  	_ = 	snop  }
0x5: {  	_ = 	snop  }
0x6: {  	_ = 	snop  }
0x7: {  	_ = 	snop  }
__scs_overlays_trampoline_lowered:
0x8: {  	[smem:$0x3FAE] =	sst s0  }
0x9: {  	[smem:$0x3FAF] =	sst s1  }
0xa: {  	[smem:$0x3FB0] =	sst s2  }
0xb: {  	[smem:$0x3FB1] =	sst s3  }
0xc: {  	[smem:$0x3FB2] =	sst s4  }
0xd: {  	[smem:$0x3FB3] =	sst s5  }
0xe: {  	[smem:$0x3FB4] =	sst s6  }
0xf: {  	[smem:$0x3FB5] =	sst s7  }
0x10: {  	[smem:$0x3FB6] =	sst s8  }
0x11: {  	[smem:$0x3FB7] =	sst s9;
	s0 =	simm.s32 @!p0 $0x0  }
0x12: {  	s1 =	sld [smem:$0x3F9D];
	s0 =	simm.s32 @p0 $0x1  }
0x13: {  	[smem:$0x3FB8] =	sst s0;
	s0 =	simm.s32 @!p1 $0x0  }
0x14: {  	s2 =	sld [smem:$0x3F9C];
	s0 =	simm.s32 @p1 $0x1  }
0x15: {  	[smem:$0x3FB9] =	sst s0;
	s0 =	simm.s32 @!p2 $0x0  }
0x16: {  	s3 =	sld [smem:$0x3FDB];
	s0 =	simm.s32 @p2 $0x1  }
0x17: {  	s4 =	simm.s32 $0x1BF5;
	[smem:$0x3FBB] =	sst s0  }
0x18: {  	s0 =	sld [smem:$0x3F9E];
	_ =	swait.ge [sflag:s4], $0x0  }
0x19: {  	s7 =	sld [smem:$0x3F9F]  }
0x1a: {  	s8 =	sadd.s32 $0xFFFFE003, lr  }
0x1b: {  	s9 =	sadd.s32 $0xFFFFFEF7, lr;
	s5 =	simm.s32 $0xFFFFFFFF;
	p2 =	slt.u32 s8, $0xFFFFF086  }
0x1c: {  	p1 =	slt.u32 s9, $0xF7A;
	s5 =	simm.s32 @!p2 $0x0  }
0x1d: {  	s5 =	simm.s32 @p1 $0x1;
	p0 =	seq.s32 s7, s2  }
0x1e: {  	s7 =	smul.u32 @!p0 $0xF7A, s2;
	p2 =	seq.s32 @!p0 s5, $0x0  }
0x1f: {  	s9 =	smul.u32 $0xF7A, s1;
	s8 =	simm.s32 @!p0 $0x1BF5;
	p2 =	por !p2, p0  }
0x20: {  	[sflag:s8] =	ssyncset.s32 @!p0 $0xFFFFF086;
	s6 =	sadd.s32 @!p0 s3, s7;
	s7 =	simm.s32 @!p0 $0x108  }
0x21: {  	s3 =	sadd.s32 s3, s9;
	s6 =	sadd.s32 @!p0 $0x88, s6;
	s7 =	simm.s32 @p2 $0x1082  }
0x22: {  	[simem:s7], [sflag:s8] =	dma.local @!p0 [hbm:s6], $0xF7A  }
0x23: {  	s9 =	sor.u32 $0xD0000000, s2;
	s6 =	simm.s32 $0x108;
	_ =	swait.ge @!p0 [sflag:s8], $0x0  }
0x24: {  	s3 =	sadd.s32 $0x88, s3;
	s6 =	simm.s32 @!p1 $0x1082;
	[sflag:s4] =	ssyncset.s32 $0xFFFFF086  }
0x25: {  	[simem:s6], [sflag:s4] =	dma.local [hbm:s3], $0xF7A  }
0x26: {  	[smem:$0x3F9F] =	sst s1;
	(tag) =	ssettag s2;
	_ =	strace s9  }
0x27: {  	s1 =	sld [smem:$0x3FAF]  }
0x28: {  	s2 =	sld [smem:$0x3FB0]  }
0x29: {  	s4 =	sld [smem:$0x3FB2]  }
0x2a: {  	p0 =	seq.s32 s5, $0x0;
	s5 =	sld [smem:$0x3FB3]  }
0x2b: {  	s6 =	sld [smem:$0x3FB4]  }
0x2c: {  	s7 =	sld [smem:$0x3FB5]  }
0x2d: {  	s3 =	simm.s32 $0x108;
	s8 =	sld [smem:$0x3FB6]  }
0x2e: {  	s3 =	simm.s32 @!p0 $0x1082;
	s9 =	sld [smem:$0x3FB7]  }
0x2f: {  	lr =	sadd.s32 s0, s3;
	s0 =	sld [smem:$0x3FAE]  }
0x30: {  	s3 =	sld [smem:$0x3FB1]  }
0x31: {  	[smem:$0x3FBA] =	sst s10  }
0x32: {  	s10 =	sld [smem:$0x3FB8];
	_ =	sdelay $0x3  }
0x33: {  	p0 =	seq.s32 s10, $0x1;
	s10 =	sld [smem:$0x3FBA];
	_ =	sdelay $0x3  }
0x34: {  	[smem:$0x3FBA] =	sst s10  }
0x35: {  	s10 =	sld [smem:$0x3FB9];
	_ =	sdelay $0x3  }
0x36: {  	p1 =	seq.s32 s10, $0x1;
	s10 =	sld [smem:$0x3FBA];
	_ =	sdelay $0x3  }
0x37: {  	[smem:$0x3FBA] =	sst s10  }
0x38: {  	s10 =	sld [smem:$0x3FBB]  }
0x39: {  	_ = 	snop;
	(pc) =	sbr.ind lr, $3  }
0x3a: {  	_ = 	snop  }
0x3b: {  	_ = 	snop  }
0x3c: {  	p2 =	seq.s32 s10, $0x1;
	s10 =	sld [smem:$0x3FBA]  }
0x3d: {  	_ =	shalt  }
0x3e: {  	_ =	shalt  }
0x3f: {  	_ =	shalt  }
0x40: {  	_ =	shalt  }
0x41: {  	_ =	shalt  }
0x42: {  	_ =	shalt  }
0x43: {  	_ =	shalt  }
0x44: {  	_ =	shalt  }
0x45: {  	_ =	shalt  }
0x46: {  	_ =	shalt  }
0x47: {  	_ =	shalt  }
0x48: {  	_ =	shalt  }
0x49: {  	_ =	shalt  }
0x4a: {  	_ =	shalt  }
0x4b: {  	_ =	shalt  }
0x4c: {  	_ =	shalt  }
0x4d: {  	_ =	shalt  }
0x4e: {  	_ =	shalt  }
0x4f: {  	_ =	shalt  }
0x50: {  	_ =	shalt  }
0x51: {  	_ =	shalt  }
0x52: {  	_ =	shalt  }
0x53: {  	_ =	shalt  }
0x54: {  	_ =	shalt  }
0x55: {  	_ =	shalt  }
0x56: {  	_ =	shalt  }
0x57: {  	_ =	shalt  }
0x58: {  	_ =	shalt  }
0x59: {  	_ =	shalt  }
0x5a: {  	_ =	shalt  }
0x5b: {  	_ =	shalt  }
0x5c: {  	_ =	shalt  }
0x5d: {  	_ =	shalt  }
0x5e: {  	_ =	shalt  }
0x5f: {  	_ =	shalt  }
0x60: {  	_ =	shalt  }
0x61: {  	_ =	shalt  }
0x62: {  	_ =	shalt  }
0x63: {  	_ =	shalt  }
0x64: {  	_ =	shalt  }
0x65: {  	_ =	shalt  }
0x66: {  	_ =	shalt  }
0x67: {  	_ =	shalt  }
0x68: {  	_ =	shalt  }
0x69: {  	_ =	shalt  }
0x6a: {  	_ =	shalt  }
0x6b: {  	_ =	shalt  }
0x6c: {  	_ =	shalt  }
0x6d: {  	_ =	shalt  }
0x6e: {  	_ =	shalt  }
0x6f: {  	_ =	shalt  }
0x70: {  	_ =	shalt  }
0x71: {  	_ =	shalt  }
0x72: {  	_ =	shalt  }
0x73: {  	_ =	shalt  }
0x74: {  	_ =	shalt  }
0x75: {  	_ =	shalt  }
0x76: {  	_ =	shalt  }
0x77: {  	_ =	shalt  }
0x78: {  	_ =	shalt  }
0x79: {  	_ =	shalt  }
0x7a: {  	_ =	shalt  }
0x7b: {  	_ =	shalt  }
0x7c: {  	_ =	shalt  }
0x7d: {  	_ =	shalt  }
0x7e: {  	_ =	shalt  }
0x7f: {  	_ =	shalt  }
0x80: {  	_ =	shalt  }
0x81: {  	_ =	shalt  }
0x82: {  	_ =	shalt  }
0x83: {  	_ =	shalt  }
0x84: {  	_ =	shalt  }
0x85: {  	_ =	shalt  }
0x86: {  	_ =	shalt  }
0x87: {  	_ =	shalt  }
.Lfunc_end0:
.L_simem_size_0:
called_computation_lowered:
.L_overlay_start_0:
0x88: {  	s2 =	sld [smem:$0x3FD9]  }
0x89: {  	s3 =	sld [smem:$0x3FFE];
	_ =	sdelay $0x1  }
0x8a: {  	s1 =	srdreg.scid  }
0x8b: {  	s0 =	sand.u32 $0x1, s1  }
0x8c: {  	s17 =	sshll.u32 s0, $0xA;
	s2 =	sadd.s32 s3, s2  }
0x8d: {  	s2 =	sadd.s32 s2, s17  }
0x8e: {  	[smem:$0x3FC6] =	sst s2  }
0x8f: {  	_ = 	snop  }
0x90: {  	s2 =	sld [smem:$0x3FD0];
	(tm) =	ssettm $0x1  }
0x91: {  	s18 =	sld [smem:$0x3FFB];
	_ =	sdelay $0x3  }
0x92: {  	_ =	strace s18  }
0x93: {  	s3 =	sld [smem:$0x3FFC];
	_ =	sdelay $0x3  }
0x94: {  	_ =	strace s3  }
0x95: {  	s3 =	sld [smem:$0x3FFD];
	_ =	sdelay $0x3  }
0x96: {  	_ =	strace s3  }
0x97: {  	_ =	strace $0x8FFFFFFF  }
0x98: {  	s19 =	sld [smem:$0x3FDB];
	_ =	sdelay $0x1  }
0x99: {  	s4 =	simm.s32 $_scs_section_size  }
0x9a: {  	s5 =	simm.s32 $_size__tile_overlayer_lowered;
	s6 =	simm.s32 $_tile_overlayer_lowered  }
0x9b: {  	s22 =	simm.s32 $0x1BFF;
	s21 =	sshll.u32 s6, $0x1;
	s3 =	sadd.s32 s4, s19  }
0x9c: {  	s7 =	simm.s32 $0x0;
	s20 =	sshll.u32 s5, $0x1;
	s5 =	sadd.s32 s21, s3  }
0x9d: {  	[timem:s7], [sflag:s22] =	dma.local [hbm:s5], s20  }
0x9e: {  	_ =	swait.ge [sflag:s22], s20  }
0x9f: {  	s4 =	ssub.s32 $0x0, s20;
	[sflag:s22] =	ssyncset.done $0x0  }
0xa0: {  	[sflag:s22] =	ssyncadd.s32 s4;
	_ =	sdelay $0x1  }
0xa1: {  	s23 =	simm.s32 $0x1B8B  }
0xa2: {  	_ =	swait.ge [sflag:s23], $0x1  }
0xa3: {  	[sflag:s23] =	ssyncset.done $0x0  }
0xa4: {  	s25 =	simm.s32 $0x1B8E;
	s24 =	sld [smem:$0x3FFE];
	[sflag:s23] =	ssyncadd.s32 $0xFFFFFFFF  }
0xa5: {  	s26 =	simm.s32 $execute0_lowered;
	[smem:$0x3FD2] =	sst s25  }
0xa6: {  	s5 =	sshll.u32 s26, $0x1;
	_ =	strace $0x80000046;
	[dreg:$0x1] =	wrdreg $0xFFFFFFFF  }
0xa7: {  	s28 =	simm.s32 $_size_execute0_lowered;
	s3 =	sadd.s32 s3, s5;
	[dreg:$0x0] =	wrdreg $0x0  }
0xa8: {  	s5 =	sshll.u32 s28, $0x1;
	[dreg:$0x2] =	wrdreg s3  }
0xa9: {  	[dreg:$0x3] =	wrdreg s5  }
0xaa: {  	[dreg:$0x4] =	wrdreg $0xC0  }
0xab: {  	_ =	task [dreg:s7], $0x5FFFF  }
0xac: {  	[dreg:$0x1] =	wrdreg $0xFFFFFFFF  }
0xad: {  	[dreg:$0x0] =	wrdreg $0x60  }
0xae: {  	[dreg:$0x2] =	wrdreg s2  }
0xaf: {  	[dreg:$0x3] =	wrdreg s24  }
0xb0: {  	[dreg:$0x4] =	wrdreg $0x9  }
0xb1: {  	_ =	task.clear_ibuf [dreg:s7], $0x5FFFF;
	_ =	strace $0x90000046  }
0xb2: {  	s29 =	simm.s32 $0x9;
	_ =	strace $0x80000048  }
0xb3: {  	_ =	swait.ge [sflag:s29], $0x1  }
0xb4: {  	[sflag:s29] =	ssyncadd.s32 $0xFFFFFFFF  }
0xb5: {  	_ =	strace $0x90000048  }
0xb6: {  	_ =	sfence  }
0xb7: {  	s30 =	sld [smem:$0x0];
	_ =	sdelay $0x2  }
0xb8: {  	s31 =	sshll.u32 s1, $0xD;
	s1 =	sshrl.u32 s1, $0x2  }
0xb9: {  	s3 =	sand.u32 $0x4000, s31;
	s1 =	sadd.s32 s1, s30  }
0xba: {  	s0 =	sor.u32 s3, s0;
	s1 =	sshll.u32 s1, $0x11  }
0xbb: {  	s0 =	sor.u32 s1, s0  }
0xbc: {  	s0 =	sadd.s32 $0x8F2B, s0  }
0xbd: {  	[sflag:s0] =	ssyncadd.remote.s32 $0x1  }
0xbe: {  	_ =	sfence.sel $0xFFFF  }
0xbf: {  	[dreg:$0x0] =	wrdreg $0xFFFFFFFF;
	(pc) =	sbr.abs _section_cstart, $3  }
0xc0: {  	[dreg:$0x1] =	wrdreg $0xFFFFFFFF  }
0xc1: {  	_ =	task.clear_ibuf [dreg:s7], $0x2FFFF;
	_ =	strace $0x9FFFFFFF  }
0xc2: {  	(tm) =	ssettm $0x7FFFFFFF  }
0xc3: {  	_ =	shalt  }
tec
execute0_lowered:
.L_overlay_start_1:
0x0: {  	(tag) =	ssettag $0x1  }
0x1: {  	v0 =	vlaneseq.u32  }
0x2: {  	v1 =	vmul.u32 $0x32, v0;
	_ =	sdelay $0x1  }
0x3: {  	v2 =	vadd.s32 $0x320, v1;
	v3 =	vadd.s32 $0x640, v1;
	v4 =	vadd.s32 $0x960, v1  }
0x4: {  	v5 =	vadd.s32 $0xC80, v1;
	v6 =	vadd.s32 $0xFA0, v1;
	v7 =	vadd.s32 $0x12C0, v1  }
0x5: {  	v8 =	vadd.s32 $0x15E0, v1;
	v9 =	vadd.s32 $0x1900, v1;
	v10 =	vadd.s32 $0x1C20, v1  }
0x6: {  	v11 =	vadd.s32 $0x1F40, v1;
	v12 =	vadd.s32 $0x2260, v1;
	v13 =	vadd.s32 $0x2580, v1  }
0x7: {  	v14 =	vadd.s32 $0x28A0, v1;
	v15 =	vadd.s32 $0x2BC0, v1;
	v16 =	vadd.s32 $0x2EE0, v1  }
0x8: {  	v17 =	vadd.s32 $0x3200, v1;
	v18 =	vadd.s32 $0x3520, v1;
	v19 =	vadd.s32 $0x3840, v1  }
0x9: {  	v20 =	vadd.s32 $0x3B60, v1;
	v21 =	vadd.s32 $0x3E80, v1;
	v22 =	vadd.s32 $0x41A0, v1  }
0xa: {  	s5 =	rddreg [dreg:$0x0];
	v23 =	vadd.s32 $0x44C0, v1;
	v24 =	vadd.s32 $0x47E0, v1;
	v25 =	vadd.s32 $0x4B00, v1  }
0xb: {  	s7 =	rddreg [dreg:$0x1];
	v26 =	vadd.s32 $0x4E20, v1;
	v27 =	vadd.s32 $0x5140, v1;
	v28 =	vadd.s32 $0x5460, v1  }
0xc: {  	s0 =	rddreg [dreg:$0x2];
	v29 =	vadd.s32 $0x5780, v1;
	v30 =	vadd.s32 $0x5AA0, v1;
	v31 =	vadd.s32 $0x5DC0, v1  }
0xd: {  	s3 =	srdreg.scid;
	s1 =	stileid.u32;
	s11 =	simm.s32 $0x6400;
	v32 =	vadd.s32 $0x60E0, v1;
	v33 =	vor.u32 $0x1, v1;
	v56 =	vadd.s32 $0x321, v1  }
0xe: {  	s2 =	simm.s32 $0x0;
	s12 =	simm.s32 $0x6800;
	s13 =	simm.s32 $0x6600;
	v57 =	vadd.s32 $0x641, v1;
	v58 =	vadd.s32 $0x961, v1;
	v59 =	vadd.s32 $0xC81, v1;
	[tilespmem:$0x1FF70] =	vst v33  }
0xf: {  	s14 =	simm.s32 $0xA800;
	s15 =	simm.s32 $0x1;
	s16 =	simm.s32 $0xE800;
	v60 =	vadd.s32 $0xFA1, v1;
	v61 =	vadd.s32 $0x12C1, v1;
	v62 =	vadd.s32 $0x15E1, v1;
	[tilespmem:$0x1FF80] =	vst v56  }
0x10: {  	s17 =	simm.s32 $0x4000;
	s18 =	simm.s32 $0x2;
	s19 =	simm.s32 $0x4;
	v63 =	vadd.s32 $0x1901, v1;
	v42 =	vadd.s32 $0x1C21, v1;
	v43 =	vadd.s32 $0x1F41, v1;
	[tilespmem:$0x1FF90] =	vst v57  }
0x11: {  	s20 =	simm.s32 $0x12800;
	s3 =	sand.u32 $0x1, s3;
	s4 =	sshll.u32 s1, $0x1;
	v44 =	vadd.s32 $0x2261, v1;
	v45 =	vadd.s32 $0x2581, v1;
	v46 =	vadd.s32 $0x28A1, v1;
	[tilespmem:$0x1FFA0] =	vst v58  }
0x12: {  	s6 =	ssub.s32 $0x2, s3;
	s8 =	sor.u32 s3, s4;
	s3 =	sadd.s32 $0xF42A00, s7;
	v47 =	vadd.s32 $0x2BC1, v1;
	v48 =	vadd.s32 $0x2EE1, v1;
	v49 =	vadd.s32 $0x3201, v1;
	[tilespmem:$0x1FFB0] =	vst v59  }
.Ltmp0:
0x13: {  	s21 =	simm.s32 $0x3;
	s22 =	simm.s32 $0x0;
	v50 =	vadd.s32 $0x3521, v1;
	v51 =	vadd.s32 $0x3841, v1;
	v52 =	vadd.s32 $0x3B61, v1;
	[tilespmem:$0x1FFC0] =	vst v60;
	(pc) =	sbr.rel .LBB2_1-.Ltmp0, $4  }
0x14: {  	[smem:$0x7FF] =	sst s2;
	s9 =	sshrl.u32 s6, $0x1;
	s10 =	smul.u32 $0xC80, s8;
	v53 =	vadd.s32 $0x3E81, v1;
	v54 =	vadd.s32 $0x41A1, v1;
	v55 =	vadd.s32 $0x44C1, v1;
	[tilespmem:$0x1FFD0] =	vst v61  }
0x15: {  	s4 =	sadd.s32 $0x600, s7;
	s7 =	sadd.s32 $0x10600, s7;
	[tilespmem:$0x1FFE0] =	vst v62;
	s9 =	ssub.s32 s6, s9;
	v56 =	vadd.s32 $0x47E1, v1;
	v57 =	vadd.s32 $0x4B01, v1;
	v58 =	vadd.s32 $0x4E21, v1  }
0x16: {  	s6 =	sshll.u32 s8, $0x6;
	v59 =	vadd.s32 $0x5141, v1;
	v60 =	vadd.s32 $0x5461, v1;
	v61 =	vadd.s32 $0x5781, v1;
	_ =	strace $0x80000047;
	s5 =	sadd.s32 s5, s10  }
0x17: {  	v62 =	vadd.s32 $0x5AA1, v1;
	v33 =	vadd.s32 $0x60E1, v1;
	[tilespmem:$0x1FFF0] =	vst v63;
	s8 =	smax.u32 s9, $0x1;
	s9 =	simm.s32 $0x5;
	s10 =	simm.s32 $0x200;
	v63 =	vadd.s32 $0x5DC1, v1  }
.LBB2_12:
0x18: {  	s22 =	sadd.s32 $0x1, s22  }
0x19: {  	_ =	swait.ge [sflag:s21], $0x4000;
	p0 =	sne.s32 s22, s8  }
.Ltmp1:
0x1a: {  	[sflag:s21] =	ssyncset.done $0x0;
	(pc) =	sbr.rel @!p0 .LBB2_13-.Ltmp1, $4  }
0x1b: {  	[sflag:s21] =	ssyncadd.s32 $0xFFFFC000  }
0x1c: {  	_ =	swait.ge [sflag:s19], $0x4000  }
0x1d: {  	[sflag:s19] =	ssyncset.done $0x0  }
0x1e: {  	[sflag:s19] =	ssyncadd.s32 $0xFFFFC000  }
.LBB2_1:
0x1f: {  	[tilespmem:s2], [sflag:$0x5] =	stream.linear.gather [hbm4b:s5+s2], $0x6400, $0x38;
	[tilespmem:$0x16800] =	vst v63  }
0x20: {  	_ =	swait.ge [sflag:s9], $0x6400  }
0x21: {  	[sflag:s9] =	ssyncset.done $0x0  }
0x22: {  	[sflag:s9] =	ssyncadd.s32 $0xFFFF9C00  }
0x23: {  	v34 =	vld.idx.msk [tilespmem:v1+s2+$0x0], $0xffff;
	_ =	sdelay $0x4  }
0x24: {  	[tilespmem:$0x6400] =	vst v34  }
0x25: {  	v34 =	vld.idx.msk [tilespmem:v2+s2+$0x0], $0xffff;
	_ =	sdelay $0x4  }
0x26: {  	[tilespmem:$0x6410] =	vst v34  }
0x27: {  	v34 =	vld.idx.msk [tilespmem:v3+s2+$0x0], $0xffff;
	_ =	sdelay $0x4  }
0x28: {  	[tilespmem:$0x6420] =	vst v34  }
0x29: {  	v34 =	vld.idx.msk [tilespmem:v4+s2+$0x0], $0xffff;
	_ =	sdelay $0x4  }
0x2a: {  	[tilespmem:$0x6430] =	vst v34  }
0x2b: {  	v34 =	vld.idx.msk [tilespmem:v5+s2+$0x0], $0xffff;
	_ =	sdelay $0x4  }
0x2c: {  	[tilespmem:$0x6440] =	vst v34  }
0x2d: {  	v34 =	vld.idx.msk [tilespmem:v6+s2+$0x0], $0xffff;
	_ =	sdelay $0x4  }
0x2e: {  	[tilespmem:$0x6450] =	vst v34  }
0x2f: {  	v34 =	vld.idx.msk [tilespmem:v7+s2+$0x0], $0xffff;
	_ =	sdelay $0x4  }
0x30: {  	[tilespmem:$0x6460] =	vst v34  }
0x31: {  	v34 =	vld.idx.msk [tilespmem:v8+s2+$0x0], $0xffff;
	_ =	sdelay $0x4  }
0x32: {  	[tilespmem:$0x6470] =	vst v34  }
0x33: {  	v34 =	vld.idx.msk [tilespmem:v9+s2+$0x0], $0xffff;
	_ =	sdelay $0x4  }
0x34: {  	[tilespmem:$0x6480] =	vst v34  }
0x35: {  	v34 =	vld.idx.msk [tilespmem:v10+s2+$0x0], $0xffff;
	_ =	sdelay $0x4  }
0x36: {  	[tilespmem:$0x6490] =	vst v34  }
0x37: {  	v34 =	vld.idx.msk [tilespmem:v11+s2+$0x0], $0xffff;
	_ =	sdelay $0x4  }
0x38: {  	[tilespmem:$0x64A0] =	vst v34  }
0x39: {  	v34 =	vld.idx.msk [tilespmem:v12+s2+$0x0], $0xffff;
	_ =	sdelay $0x4  }
0x3a: {  	[tilespmem:$0x64B0] =	vst v34  }
0x3b: {  	v34 =	vld.idx.msk [tilespmem:v13+s2+$0x0], $0xffff;
	_ =	sdelay $0x4  }
0x3c: {  	[tilespmem:$0x64C0] =	vst v34  }
0x3d: {  	v34 =	vld.idx.msk [tilespmem:v14+s2+$0x0], $0xffff;
	_ =	sdelay $0x4  }
0x3e: {  	[tilespmem:$0x64D0] =	vst v34  }
0x3f: {  	v34 =	vld.idx.msk [tilespmem:v15+s2+$0x0], $0xffff;
	_ =	sdelay $0x4  }
0x40: {  	[tilespmem:$0x64E0] =	vst v34  }
0x41: {  	v34 =	vld.idx.msk [tilespmem:v16+s2+$0x0], $0xffff;
	_ =	sdelay $0x4  }
0x42: {  	[tilespmem:$0x64F0] =	vst v34  }
0x43: {  	v34 =	vld.idx.msk [tilespmem:v17+s2+$0x0], $0xffff;
	_ =	sdelay $0x4  }
0x44: {  	[tilespmem:$0x6500] =	vst v34  }
0x45: {  	v34 =	vld.idx.msk [tilespmem:v18+s2+$0x0], $0xffff;
	_ =	sdelay $0x4  }
0x46: {  	[tilespmem:$0x6510] =	vst v34  }
0x47: {  	v34 =	vld.idx.msk [tilespmem:v19+s2+$0x0], $0xffff;
	_ =	sdelay $0x4  }
0x48: {  	[tilespmem:$0x6520] =	vst v34  }
0x49: {  	v34 =	vld.idx.msk [tilespmem:v20+s2+$0x0], $0xffff;
	_ =	sdelay $0x4  }
0x4a: {  	[tilespmem:$0x6530] =	vst v34  }
0x4b: {  	v34 =	vld.idx.msk [tilespmem:v21+s2+$0x0], $0xffff;
	_ =	sdelay $0x4  }
0x4c: {  	[tilespmem:$0x6540] =	vst v34  }
0x4d: {  	v34 =	vld.idx.msk [tilespmem:v22+s2+$0x0], $0xffff;
	_ =	sdelay $0x4  }
0x4e: {  	[tilespmem:$0x6550] =	vst v34  }
0x4f: {  	v34 =	vld.idx.msk [tilespmem:v23+s2+$0x0], $0xffff;
	_ =	sdelay $0x4  }
0x50: {  	[tilespmem:$0x6560] =	vst v34  }
0x51: {  	v34 =	vld.idx.msk [tilespmem:v24+s2+$0x0], $0xffff;
	_ =	sdelay $0x4  }
0x52: {  	[tilespmem:$0x6570] =	vst v34  }
0x53: {  	v34 =	vld.idx.msk [tilespmem:v25+s2+$0x0], $0xffff;
	_ =	sdelay $0x4  }
0x54: {  	[tilespmem:$0x6580] =	vst v34  }
0x55: {  	v34 =	vld.idx.msk [tilespmem:v26+s2+$0x0], $0xffff;
	_ =	sdelay $0x4  }
0x56: {  	[tilespmem:$0x6590] =	vst v34  }
0x57: {  	v34 =	vld.idx.msk [tilespmem:v27+s2+$0x0], $0xffff;
	_ =	sdelay $0x4  }
0x58: {  	[tilespmem:$0x65A0] =	vst v34  }
0x59: {  	v34 =	vld.idx.msk [tilespmem:v28+s2+$0x0], $0xffff;
	_ =	sdelay $0x4  }
0x5a: {  	[tilespmem:$0x65B0] =	vst v34  }
0x5b: {  	v34 =	vld.idx.msk [tilespmem:v29+s2+$0x0], $0xffff;
	_ =	sdelay $0x4  }
0x5c: {  	[tilespmem:$0x65C0] =	vst v34  }
0x5d: {  	v34 =	vld.idx.msk [tilespmem:v30+s2+$0x0], $0xffff;
	_ =	sdelay $0x4  }
0x5e: {  	[tilespmem:$0x65D0] =	vst v34  }
0x5f: {  	v34 =	vld.idx.msk [tilespmem:v31+s2+$0x0], $0xffff;
	_ =	sdelay $0x4  }
0x60: {  	v39 =	vld [tilespmem:$0x1FF70];
	[tilespmem:$0x65E0] =	vst v34  }
0x61: {  	v34 =	vld.idx.msk [tilespmem:v32+s2+$0x0], $0xffff;
	_ =	sdelay $0x4  }
0x62: {  	v40 =	vld [tilespmem:$0x1FF80];
	[tilespmem:$0x65F0] =	vst v34  }
0x63: {  	[tilespmem:s12], [sflag:$0x1] =	stream.indirect.gather [hbm4b:s3+s10], $0x20, s11, s10, $0xb8;
	[tilespmem:$0x16800] =	vst v63  }
0x64: {  	v34 =	vld.idx.msk [tilespmem:v39+s2+$0x0], $0xffff;
	_ =	sdelay $0x3  }
0x65: {  	v41 =	vld [tilespmem:$0x1FF90]  }
0x66: {  	[tilespmem:$0x6600] =	vst v34  }
0x67: {  	v34 =	vld.idx.msk [tilespmem:v40+s2+$0x0], $0xffff;
	_ =	sdelay $0x3  }
0x68: {  	v36 =	vld [tilespmem:$0x1FFA0]  }
0x69: {  	[tilespmem:$0x6610] =	vst v34  }
0x6a: {  	v34 =	vld.idx.msk [tilespmem:v41+s2+$0x0], $0xffff;
	_ =	sdelay $0x3  }
0x6b: {  	v37 =	vld [tilespmem:$0x1FFB0]  }
0x6c: {  	[tilespmem:$0x6620] =	vst v34  }
0x6d: {  	v34 =	vld.idx.msk [tilespmem:v36+s2+$0x0], $0xffff;
	_ =	sdelay $0x3  }
0x6e: {  	v38 =	vld [tilespmem:$0x1FFC0]  }
0x6f: {  	[tilespmem:$0x6630] =	vst v34  }
0x70: {  	v34 =	vld.idx.msk [tilespmem:v37+s2+$0x0], $0xffff;
	_ =	sdelay $0x3  }
0x71: {  	v39 =	vld [tilespmem:$0x1FFD0]  }
0x72: {  	[tilespmem:$0x6640] =	vst v34  }
0x73: {  	v34 =	vld.idx.msk [tilespmem:v38+s2+$0x0], $0xffff;
	_ =	sdelay $0x3  }
0x74: {  	v40 =	vld [tilespmem:$0x1FFE0]  }
0x75: {  	[tilespmem:$0x6650] =	vst v34  }
0x76: {  	v34 =	vld.idx.msk [tilespmem:v39+s2+$0x0], $0xffff;
	_ =	sdelay $0x3  }
0x77: {  	v41 =	vld [tilespmem:$0x1FFF0]  }
0x78: {  	[tilespmem:$0x6660] =	vst v34  }
0x79: {  	v34 =	vld.idx.msk [tilespmem:v40+s2+$0x0], $0xffff;
	_ =	sdelay $0x4  }
0x7a: {  	[tilespmem:$0x6670] =	vst v34  }
0x7b: {  	v34 =	vld.idx.msk [tilespmem:v41+s2+$0x0], $0xffff;
	_ =	sdelay $0x4  }
0x7c: {  	[tilespmem:$0x6680] =	vst v34  }
0x7d: {  	v34 =	vld.idx.msk [tilespmem:v42+s2+$0x0], $0xffff;
	_ =	sdelay $0x4  }
0x7e: {  	[tilespmem:$0x6690] =	vst v34  }
0x7f: {  	v34 =	vld.idx.msk [tilespmem:v43+s2+$0x0], $0xffff;
	_ =	sdelay $0x4  }
0x80: {  	[tilespmem:$0x66A0] =	vst v34  }
0x81: {  	v34 =	vld.idx.msk [tilespmem:v44+s2+$0x0], $0xffff;
	_ =	sdelay $0x4  }
0x82: {  	[tilespmem:$0x66B0] =	vst v34  }
0x83: {  	v34 =	vld.idx.msk [tilespmem:v45+s2+$0x0], $0xffff;
	_ =	sdelay $0x4  }
0x84: {  	[tilespmem:$0x66C0] =	vst v34  }
0x85: {  	v34 =	vld.idx.msk [tilespmem:v46+s2+$0x0], $0xffff;
	_ =	sdelay $0x4  }
0x86: {  	[tilespmem:$0x66D0] =	vst v34  }
0x87: {  	v34 =	vld.idx.msk [tilespmem:v47+s2+$0x0], $0xffff;
	_ =	sdelay $0x4  }
0x88: {  	[tilespmem:$0x66E0] =	vst v34  }
0x89: {  	v34 =	vld.idx.msk [tilespmem:v48+s2+$0x0], $0xffff;
	_ =	sdelay $0x4  }
0x8a: {  	[tilespmem:$0x66F0] =	vst v34  }
0x8b: {  	v34 =	vld.idx.msk [tilespmem:v49+s2+$0x0], $0xffff;
	_ =	sdelay $0x4  }
0x8c: {  	[tilespmem:$0x6700] =	vst v34  }
0x8d: {  	v34 =	vld.idx.msk [tilespmem:v50+s2+$0x0], $0xffff;
	_ =	sdelay $0x4  }
0x8e: {  	[tilespmem:$0x6710] =	vst v34  }
0x8f: {  	v34 =	vld.idx.msk [tilespmem:v51+s2+$0x0], $0xffff;
	_ =	sdelay $0x4  }
0x90: {  	[tilespmem:$0x6720] =	vst v34  }
0x91: {  	v34 =	vld.idx.msk [tilespmem:v52+s2+$0x0], $0xffff;
	_ =	sdelay $0x4  }
0x92: {  	[tilespmem:$0x6730] =	vst v34  }
0x93: {  	v34 =	vld.idx.msk [tilespmem:v53+s2+$0x0], $0xffff;
	_ =	sdelay $0x4  }
0x94: {  	[tilespmem:$0x6740] =	vst v34  }
0x95: {  	v34 =	vld.idx.msk [tilespmem:v54+s2+$0x0], $0xffff;
	_ =	sdelay $0x4  }
0x96: {  	[tilespmem:$0x6750] =	vst v34  }
0x97: {  	v34 =	vld.idx.msk [tilespmem:v55+s2+$0x0], $0xffff;
	_ =	sdelay $0x4  }
0x98: {  	[tilespmem:$0x6760] =	vst v34  }
0x99: {  	v34 =	vld.idx.msk [tilespmem:v56+s2+$0x0], $0xffff;
	_ =	sdelay $0x4  }
0x9a: {  	[tilespmem:$0x6770] =	vst v34  }
0x9b: {  	v34 =	vld.idx.msk [tilespmem:v57+s2+$0x0], $0xffff;
	_ =	sdelay $0x4  }
0x9c: {  	[tilespmem:$0x6780] =	vst v34  }
0x9d: {  	v34 =	vld.idx.msk [tilespmem:v58+s2+$0x0], $0xffff;
	_ =	sdelay $0x4  }
0x9e: {  	[tilespmem:$0x6790] =	vst v34  }
0x9f: {  	v34 =	vld.idx.msk [tilespmem:v59+s2+$0x0], $0xffff;
	_ =	sdelay $0x4  }
0xa0: {  	[tilespmem:$0x67A0] =	vst v34  }
0xa1: {  	v34 =	vld.idx.msk [tilespmem:v60+s2+$0x0], $0xffff;
	_ =	sdelay $0x4  }
0xa2: {  	[tilespmem:$0x67B0] =	vst v34  }
0xa3: {  	v34 =	vld.idx.msk [tilespmem:v61+s2+$0x0], $0xffff;
	_ =	sdelay $0x4  }
0xa4: {  	[tilespmem:$0x67C0] =	vst v34  }
0xa5: {  	v34 =	vld.idx.msk [tilespmem:v62+s2+$0x0], $0xffff;
	_ =	sdelay $0x4  }
0xa6: {  	[tilespmem:$0x67D0] =	vst v34  }
0xa7: {  	v34 =	vld.idx.msk [tilespmem:v63+s2+$0x0], $0xffff;
	_ =	sdelay $0x4  }
0xa8: {  	[tilespmem:$0x67E0] =	vst v34  }
0xa9: {  	v34 =	vld.idx.msk [tilespmem:v33+s2+$0x0], $0xffff;
	_ =	sdelay $0x4  }
0xaa: {  	s23 =	simm.s32 $0x0;
	[tilespmem:$0x67F0] =	vst v34  }
0xab: {  	[tilespmem:s14], [sflag:$0x2] =	stream.indirect.gather [hbm4b:s3+s10], $0x20, s13, s10, $0xb8;
	[tilespmem:$0x16800] =	vst v63  }
.LBB2_2:
0xac: {  	_ =	swait.ge [sflag:s15], $0x4000  }
0xad: {  	p0 =	seq.s32 s23, $0x0;
	s24 =	simm.s32 $0x0;
	[sflag:s15] =	ssyncset.done $0x0  }
0xae: {  	s25 =	simm.s32 @!p0 $0x3;
	v34 =	vmov s24;
	[sflag:s15] =	ssyncadd.s32 $0xFFFFC000  }
0xaf: {  	v34 =	vand.u32 $0x1FC, v34;
	_ =	swait.ge @!p0 [sflag:s25], $0x4000  }
0xb0: {  	v36 =	vbroadcast v34, $0x0;
	v34 =	vmul.u32 $0x200, v0;
	[sflag:s25] =	ssyncset.done @!p0 $0x0  }
0xb1: {  	[sflag:s25] =	ssyncadd.s32 @!p0 $0xFFFFC000;
	s25 =	simm.s32 $0x6840  }
0xb2: {  	v38 =	vor.u32 v34, v36;
	v35 =	vor.u32 $0x2000, v34;
	v37 =	vld [tilespmem:s25+$0xFFFFFFC0]  }
0xb3: {  	v39 =	vld [tilespmem:s25+$0xFFFFFFD0];
	v36 =	vor.u32 v35, v36  }
0xb4: {  	s29 =	simm.s32 $0x1  }
0xb5: {  	v40 =	vmov s29  }
0xb6: {  	v40 =	vand.u32 $0x1FD, v40  }
0xb7: {  	[tilespmem:v38+s16+$0x0] =	vst.idx.msk $0xffff, v37;
	v37 =	vbroadcast v40, $0x0  }
0xb8: {  	[tilespmem:v36+s16+$0x0] =	vst.idx.msk $0xffff, v39  }
0xb9: {  	v36 =	vld [tilespmem:s25+$0xFFFFFFE0];
	v38 =	vor.u32 v34, v37  }
0xba: {  	v39 =	vld [tilespmem:s25+$0xFFFFFFF0];
	v37 =	vor.u32 v35, v37  }
0xbb: {  	s30 =	simm.s32 $0x2  }
0xbc: {  	v40 =	vmov s30  }
0xbd: {  	v40 =	vand.u32 $0x1FE, v40  }
0xbe: {  	[tilespmem:v38+s16+$0x0] =	vst.idx.msk $0xffff, v36;
	v36 =	vbroadcast v40, $0x0  }
0xbf: {  	[tilespmem:v37+s16+$0x0] =	vst.idx.msk $0xffff, v39  }
0xc0: {  	v37 =	vld [tilespmem:s25+$0x0];
	v38 =	vor.u32 v34, v36  }
0xc1: {  	v39 =	vld [tilespmem:s25+$0x10];
	v36 =	vor.u32 v35, v36  }
0xc2: {  	s31 =	simm.s32 $0x3  }
0xc3: {  	v40 =	vmov s31  }
0xc4: {  	v40 =	vand.u32 $0x1FF, v40  }
0xc5: {  	[tilespmem:v38+s16+$0x0] =	vst.idx.msk $0xffff, v37;
	v38 =	vbroadcast v40, $0x0  }
0xc6: {  	[tilespmem:v36+s16+$0x0] =	vst.idx.msk $0xffff, v39  }
0xc7: {  	v39 =	vld [tilespmem:s25+$0x20];
	v40 =	vor.u32 v34, v38;
	_ =	sdelay $0x1  }
0xc8: {  	s26 =	simm.s32 $0x4;
	v37 =	vld [tilespmem:s25+$0x30];
	v38 =	vor.u32 v35, v38  }
0xc9: {  	v41 =	vmov s26  }
0xca: {  	v36 =	vand.u32 $0x1FC, v41  }
0xcb: {  	s28 =	simm.s32 $0x8;
	s24 =	sshll.u32 s23, $0x1;
	v36 =	vbroadcast v36, $0x0;
	[tilespmem:v40+s16+$0x0] =	vst.idx.msk $0xffff, v39  }
.LBB2_3:
0xcc: {  	p1 =	sne.s32 s28, $0x1FC  }
0xcd: {  	[tilespmem:v38+s16+$0x0] =	vst.idx.msk $0xffff, v37;
	s25 =	sadd.s32 $0x80, s25;
	s29 =	smov.u32 s28;
	s28 =	sadd.s32 $0x4, s28  }
0xce: {  	v39 =	vor.u32 $0x2000, v34;
	v37 =	vld [tilespmem:s25+$0xFFFFFFC0];
	v38 =	vor.u32 v34, v36  }
0xcf: {  	v36 =	vor.u32 v39, v36;
	v40 =	vld [tilespmem:s25+$0xFFFFFFD0]  }
0xd0: {  	s30 =	sadd.s32 $0x1, s26  }
0xd1: {  	v41 =	vmov s30  }
0xd2: {  	v41 =	vand.u32 $0x1FD, v41  }
0xd3: {  	[tilespmem:v38+s16+$0x0] =	vst.idx.msk $0xffff, v37;
	v37 =	vbroadcast v41, $0x0  }
0xd4: {  	[tilespmem:v36+s16+$0x0] =	vst.idx.msk $0xffff, v40  }
0xd5: {  	v36 =	vld [tilespmem:s25+$0xFFFFFFE0];
	v38 =	vor.u32 v34, v37  }
0xd6: {  	v37 =	vor.u32 v39, v37;
	v40 =	vld [tilespmem:s25+$0xFFFFFFF0]  }
0xd7: {  	s30 =	sadd.s32 $0x2, s26  }
0xd8: {  	v41 =	vmov s30  }
0xd9: {  	v41 =	vand.u32 $0x1FE, v41  }
0xda: {  	[tilespmem:v38+s16+$0x0] =	vst.idx.msk $0xffff, v36;
	v36 =	vbroadcast v41, $0x0  }
0xdb: {  	[tilespmem:v37+s16+$0x0] =	vst.idx.msk $0xffff, v40  }
0xdc: {  	v37 =	vld [tilespmem:s25+$0x0];
	v38 =	vor.u32 v34, v36  }
0xdd: {  	v36 =	vor.u32 v39, v36;
	v40 =	vld [tilespmem:s25+$0x10]  }
0xde: {  	s30 =	sadd.s32 $0x3, s26;
	s26 =	smov.u32 s29  }
0xdf: {  	v41 =	vmov s30  }
0xe0: {  	v41 =	vand.u32 $0x1FF, v41  }
0xe1: {  	[tilespmem:v38+s16+$0x0] =	vst.idx.msk $0xffff, v37;
	v38 =	vbroadcast v41, $0x0  }
0xe2: {  	[tilespmem:v36+s16+$0x0] =	vst.idx.msk $0xffff, v40  }
0xe3: {  	v40 =	vld [tilespmem:s25+$0x20];
	v41 =	vor.u32 v34, v38  }
.Ltmp2:
0xe4: {  	v38 =	vor.u32 v39, v38;
	v37 =	vld [tilespmem:s25+$0x30];
	(pc) =	sbr.rel @p1 .LBB2_3-.Ltmp2, $4  }
0xe5: {  	_ = 	snop  }
0xe6: {  	v36 =	vmov s26  }
0xe7: {  	v36 =	vand.u32 $0x1FC, v36  }
0xe8: {  	v36 =	vbroadcast v36, $0x0;
	[tilespmem:v41+s16+$0x0] =	vst.idx.msk $0xffff, v40  }
0xe9: {  	_ =	sdelay $0x3  }
0xea: {  	[tilespmem:v38+s16+$0x0] =	vst.idx.msk $0xffff, v37;
	s25 =	sadd.s32 $0x80, s25  }
0xeb: {  	v37 =	vld [tilespmem:s25+$0xFFFFFFC0];
	v38 =	vor.u32 v34, v36  }
0xec: {  	v39 =	vld [tilespmem:s25+$0xFFFFFFD0];
	v36 =	vor.u32 v35, v36  }
0xed: {  	s28 =	sadd.s32 $0x1, s26  }
0xee: {  	v40 =	vmov s28  }
0xef: {  	v40 =	vand.u32 $0x1FD, v40  }
0xf0: {  	[tilespmem:v38+s16+$0x0] =	vst.idx.msk $0xffff, v37;
	v37 =	vbroadcast v40, $0x0  }
0xf1: {  	[tilespmem:v36+s16+$0x0] =	vst.idx.msk $0xffff, v39  }
0xf2: {  	v36 =	vld [tilespmem:s25+$0xFFFFFFE0];
	v38 =	vor.u32 v34, v37  }
0xf3: {  	v39 =	vld [tilespmem:s25+$0xFFFFFFF0];
	v37 =	vor.u32 v35, v37  }
0xf4: {  	s31 =	sadd.s32 $0x2, s26  }
0xf5: {  	v40 =	vmov s31  }
0xf6: {  	v40 =	vand.u32 $0x1FE, v40  }
0xf7: {  	[tilespmem:v38+s16+$0x0] =	vst.idx.msk $0xffff, v36;
	v36 =	vbroadcast v40, $0x0  }
0xf8: {  	[tilespmem:v37+s16+$0x0] =	vst.idx.msk $0xffff, v39  }
0xf9: {  	v37 =	vld [tilespmem:s25+$0x0];
	v38 =	vor.u32 v34, v36  }
0xfa: {  	v39 =	vld [tilespmem:s25+$0x10];
	v36 =	vor.u32 v35, v36  }
0xfb: {  	s29 =	sadd.s32 $0x3, s26  }
0xfc: {  	v40 =	vmov s29  }
0xfd: {  	v40 =	vand.u32 $0x1FF, v40  }
0xfe: {  	[tilespmem:v38+s16+$0x0] =	vst.idx.msk $0xffff, v37;
	v37 =	vbroadcast v40, $0x0  }
0xff: {  	[tilespmem:v36+s16+$0x0] =	vst.idx.msk $0xffff, v39  }
0x100: {  	v36 =	vld [tilespmem:s25+$0x20];
	v38 =	vor.u32 v34, v37  }
0x101: {  	v39 =	vld [tilespmem:s25+$0x30];
	v37 =	vor.u32 v35, v37  }
0x102: {  	p1 =	sne.s32 s23, $0x18  }
.Ltmp3:
0x103: {  	_ = 	snop;
	(pc) =	sbr.rel @p1 .LBB2_6-.Ltmp3, $4  }
0x104: {  	s30 =	sshll.u32 s23, $0x11  }
0x105: {  	s25 =	sor.u32 s6, s30;
	[tilespmem:v38+s16+$0x0] =	vst.idx.msk $0xffff, v36  }
0x106: {  	s31 =	sadd.s32 s4, s25;
	[tilespmem:v37+s16+$0x0] =	vst.idx.msk $0xffff, v39  }
0x107: {  	[hbm4b:s31+s10] =	stream.strided.scatter [tilespmem:s16], [sflag:$0x3], $0x4000, s17, s10, $0x38;
	[tilespmem:$0x16800] =	vst v63  }
.Ltmp4:
0x108: {  	(pc) =	sbr.rel .LBB2_7-.Ltmp4, $4  }
0x109: {  	_ = 	snop  }
0x10a: {  	_ =	swait.ge [sflag:s18], $0x4000  }
0x10b: {  	[sflag:s18] =	ssyncset.done $0x0  }
0x10c: {  	[sflag:s18] =	ssyncadd.s32 $0xFFFFC000  }
.LBB2_6:
0x10d: {  	s26 =	sadd.s32 $0x2, s24  }
0x10e: {  	v36 =	vadd.s32 s26, v1;
	_ =	sdelay $0x4  }
0x10f: {  	v36 =	vld.idx.msk [tilespmem:v36+s2+$0x0], $0xffff  }
0x110: {  	v37 =	vadd.s32 s26, v2;
	_ =	sdelay $0x3  }
0x111: {  	[tilespmem:$0x6400] =	vst v36  }
0x112: {  	v36 =	vld.idx.msk [tilespmem:v37+s2+$0x0], $0xffff  }
0x113: {  	v40 =	vadd.s32 s26, v3;
	_ =	sdelay $0x3  }
0x114: {  	[tilespmem:$0x6410] =	vst v36  }
0x115: {  	v36 =	vld.idx.msk [tilespmem:v40+s2+$0x0], $0xffff  }
0x116: {  	v41 =	vadd.s32 s26, v4;
	_ =	sdelay $0x3  }
0x117: {  	[tilespmem:$0x6420] =	vst v36  }
0x118: {  	v36 =	vld.idx.msk [tilespmem:v41+s2+$0x0], $0xffff  }
0x119: {  	v40 =	vadd.s32 s26, v5;
	_ =	sdelay $0x3  }
0x11a: {  	[tilespmem:$0x6430] =	vst v36  }
0x11b: {  	v36 =	vld.idx.msk [tilespmem:v40+s2+$0x0], $0xffff  }
0x11c: {  	v41 =	vadd.s32 s26, v6;
	_ =	sdelay $0x3  }
0x11d: {  	[tilespmem:$0x6440] =	vst v36  }
0x11e: {  	v36 =	vld.idx.msk [tilespmem:v41+s2+$0x0], $0xffff  }
0x11f: {  	v40 =	vadd.s32 s26, v7;
	_ =	sdelay $0x3  }
0x120: {  	[tilespmem:$0x6450] =	vst v36  }
0x121: {  	v36 =	vld.idx.msk [tilespmem:v40+s2+$0x0], $0xffff  }
0x122: {  	v41 =	vadd.s32 s26, v8;
	_ =	sdelay $0x3  }
0x123: {  	[tilespmem:$0x6460] =	vst v36  }
0x124: {  	v36 =	vld.idx.msk [tilespmem:v41+s2+$0x0], $0xffff  }
0x125: {  	v40 =	vadd.s32 s26, v9;
	_ =	sdelay $0x3  }
0x126: {  	[tilespmem:$0x6470] =	vst v36  }
0x127: {  	v36 =	vld.idx.msk [tilespmem:v40+s2+$0x0], $0xffff  }
0x128: {  	v41 =	vadd.s32 s26, v10;
	_ =	sdelay $0x3  }
0x129: {  	[tilespmem:$0x6480] =	vst v36  }
0x12a: {  	v36 =	vld.idx.msk [tilespmem:v41+s2+$0x0], $0xffff  }
0x12b: {  	v40 =	vadd.s32 s26, v11;
	_ =	sdelay $0x3  }
0x12c: {  	[tilespmem:$0x6490] =	vst v36  }
0x12d: {  	v36 =	vld.idx.msk [tilespmem:v40+s2+$0x0], $0xffff  }
0x12e: {  	v41 =	vadd.s32 s26, v12;
	_ =	sdelay $0x3  }
0x12f: {  	[tilespmem:$0x64A0] =	vst v36  }
0x130: {  	v36 =	vld.idx.msk [tilespmem:v41+s2+$0x0], $0xffff  }
0x131: {  	v40 =	vadd.s32 s26, v13;
	_ =	sdelay $0x3  }
0x132: {  	[tilespmem:$0x64B0] =	vst v36  }
0x133: {  	v36 =	vld.idx.msk [tilespmem:v40+s2+$0x0], $0xffff  }
0x134: {  	v41 =	vadd.s32 s26, v14;
	_ =	sdelay $0x3  }
0x135: {  	[tilespmem:$0x64C0] =	vst v36  }
0x136: {  	v36 =	vld.idx.msk [tilespmem:v41+s2+$0x0], $0xffff  }
0x137: {  	v40 =	vadd.s32 s26, v15;
	_ =	sdelay $0x3  }
0x138: {  	[tilespmem:$0x64D0] =	vst v36  }
0x139: {  	v36 =	vld.idx.msk [tilespmem:v40+s2+$0x0], $0xffff  }
0x13a: {  	v41 =	vadd.s32 s26, v16;
	_ =	sdelay $0x3  }
0x13b: {  	[tilespmem:$0x64E0] =	vst v36  }
0x13c: {  	v36 =	vld.idx.msk [tilespmem:v41+s2+$0x0], $0xffff  }
0x13d: {  	v40 =	vadd.s32 s26, v17;
	_ =	sdelay $0x3  }
0x13e: {  	[tilespmem:$0x64F0] =	vst v36  }
0x13f: {  	v36 =	vld.idx.msk [tilespmem:v40+s2+$0x0], $0xffff  }
0x140: {  	v41 =	vadd.s32 s26, v18;
	_ =	sdelay $0x3  }
0x141: {  	[tilespmem:$0x6500] =	vst v36  }
0x142: {  	v36 =	vld.idx.msk [tilespmem:v41+s2+$0x0], $0xffff  }
0x143: {  	v40 =	vadd.s32 s26, v19;
	_ =	sdelay $0x3  }
0x144: {  	[tilespmem:$0x6510] =	vst v36  }
0x145: {  	v36 =	vld.idx.msk [tilespmem:v40+s2+$0x0], $0xffff  }
0x146: {  	v41 =	vadd.s32 s26, v20;
	_ =	sdelay $0x3  }
0x147: {  	[tilespmem:$0x6520] =	vst v36  }
0x148: {  	v36 =	vld.idx.msk [tilespmem:v41+s2+$0x0], $0xffff  }
0x149: {  	v40 =	vadd.s32 s26, v21;
	_ =	sdelay $0x3  }
0x14a: {  	[tilespmem:$0x6530] =	vst v36  }
0x14b: {  	v36 =	vld.idx.msk [tilespmem:v40+s2+$0x0], $0xffff  }
0x14c: {  	v41 =	vadd.s32 s26, v22;
	_ =	sdelay $0x3  }
0x14d: {  	[tilespmem:$0x6540] =	vst v36  }
0x14e: {  	v36 =	vld.idx.msk [tilespmem:v41+s2+$0x0], $0xffff  }
0x14f: {  	v40 =	vadd.s32 s26, v23;
	_ =	sdelay $0x3  }
0x150: {  	[tilespmem:$0x6550] =	vst v36  }
0x151: {  	v36 =	vld.idx.msk [tilespmem:v40+s2+$0x0], $0xffff  }
0x152: {  	v41 =	vadd.s32 s26, v24;
	_ =	sdelay $0x3  }
0x153: {  	[tilespmem:$0x6560] =	vst v36  }
0x154: {  	v36 =	vld.idx.msk [tilespmem:v41+s2+$0x0], $0xffff  }
0x155: {  	v40 =	vadd.s32 s26, v25;
	_ =	sdelay $0x3  }
0x156: {  	[tilespmem:$0x6570] =	vst v36  }
0x157: {  	v36 =	vld.idx.msk [tilespmem:v40+s2+$0x0], $0xffff  }
0x158: {  	v41 =	vadd.s32 s26, v26;
	_ =	sdelay $0x3  }
0x159: {  	[tilespmem:$0x6580] =	vst v36  }
0x15a: {  	v36 =	vld.idx.msk [tilespmem:v41+s2+$0x0], $0xffff  }
0x15b: {  	v40 =	vadd.s32 s26, v27;
	_ =	sdelay $0x3  }
0x15c: {  	[tilespmem:$0x6590] =	vst v36  }
0x15d: {  	v36 =	vld.idx.msk [tilespmem:v40+s2+$0x0], $0xffff  }
0x15e: {  	v41 =	vadd.s32 s26, v28;
	_ =	sdelay $0x3  }
0x15f: {  	[tilespmem:$0x65A0] =	vst v36  }
0x160: {  	v36 =	vld.idx.msk [tilespmem:v41+s2+$0x0], $0xffff  }
0x161: {  	v40 =	vadd.s32 s26, v29;
	_ =	sdelay $0x3  }
0x162: {  	[tilespmem:$0x65B0] =	vst v36  }
0x163: {  	v36 =	vld.idx.msk [tilespmem:v40+s2+$0x0], $0xffff  }
0x164: {  	v41 =	vadd.s32 s26, v30;
	_ =	sdelay $0x3  }
0x165: {  	[tilespmem:$0x65C0] =	vst v36  }
0x166: {  	v36 =	vld.idx.msk [tilespmem:v41+s2+$0x0], $0xffff  }
0x167: {  	v40 =	vadd.s32 s26, v31;
	_ =	sdelay $0x3  }
0x168: {  	[tilespmem:$0x65D0] =	vst v36  }
0x169: {  	v36 =	vld.idx.msk [tilespmem:v40+s2+$0x0], $0xffff  }
0x16a: {  	v41 =	vadd.s32 s26, v32;
	_ =	sdelay $0x3  }
0x16b: {  	[tilespmem:$0x65E0] =	vst v36  }
0x16c: {  	v36 =	vld.idx.msk [tilespmem:v41+s2+$0x0], $0xffff;
	_ =	sdelay $0x4  }
.Ltmp5:
0x16d: {  	[tilespmem:$0x65F0] =	vst v36;
	(pc) =	sbr.rel @p0 .LBB2_8-.Ltmp5, $4  }
0x16e: {  	[tilespmem:s12], [sflag:$0x1] =	stream.indirect.gather [hbm4b:s3+s10], $0x20, s11, s10, $0xb8;
	[tilespmem:$0x16800] =	vst v63  }
0x16f: {  	_ =	swait.ge [sflag:s18], $0x4000  }
0x170: {  	[sflag:s18] =	ssyncset.done $0x0  }
0x171: {  	[sflag:s18] =	ssyncadd.s32 $0xFFFFC000  }
.LBB2_7:
0x172: {  	_ =	swait.ge [sflag:s19], $0x4000  }
0x173: {  	[sflag:s19] =	ssyncset.done $0x0  }
0x174: {  	[sflag:s19] =	ssyncadd.s32 $0xFFFFC000  }
.LBB2_8:
0x175: {  	s26 =	simm.s32 $0x0  }
0x176: {  	v36 =	vmov s26  }
0x177: {  	v36 =	vand.u32 $0x1FC, v36  }
0x178: {  	v36 =	vbroadcast v36, $0x0  }
0x179: {  	s26 =	simm.s32 $0xA840  }
0x17a: {  	v37 =	vld [tilespmem:s26+$0xFFFFFFC0];
	v38 =	vor.u32 v34, v36  }
0x17b: {  	v39 =	vld [tilespmem:s26+$0xFFFFFFD0];
	v36 =	vor.u32 v35, v36  }
0x17c: {  	s28 =	simm.s32 $0x1  }
0x17d: {  	v40 =	vmov s28  }
0x17e: {  	v40 =	vand.u32 $0x1FD, v40  }
0x17f: {  	[tilespmem:v38+s20+$0x0] =	vst.idx.msk $0xffff, v37;
	v37 =	vbroadcast v40, $0x0  }
0x180: {  	[tilespmem:v36+s20+$0x0] =	vst.idx.msk $0xffff, v39  }
0x181: {  	v36 =	vld [tilespmem:s26+$0xFFFFFFE0];
	v38 =	vor.u32 v34, v37  }
0x182: {  	v39 =	vld [tilespmem:s26+$0xFFFFFFF0];
	v37 =	vor.u32 v35, v37  }
0x183: {  	s28 =	simm.s32 $0x2  }
0x184: {  	v40 =	vmov s28  }
0x185: {  	v40 =	vand.u32 $0x1FE, v40  }
0x186: {  	[tilespmem:v38+s20+$0x0] =	vst.idx.msk $0xffff, v36;
	v36 =	vbroadcast v40, $0x0  }
0x187: {  	[tilespmem:v37+s20+$0x0] =	vst.idx.msk $0xffff, v39  }
0x188: {  	v37 =	vld [tilespmem:s26+$0x0];
	v38 =	vor.u32 v34, v36  }
0x189: {  	v39 =	vld [tilespmem:s26+$0x10];
	v36 =	vor.u32 v35, v36  }
0x18a: {  	s28 =	simm.s32 $0x3  }
0x18b: {  	v40 =	vmov s28  }
0x18c: {  	v40 =	vand.u32 $0x1FF, v40  }
0x18d: {  	[tilespmem:v38+s20+$0x0] =	vst.idx.msk $0xffff, v37;
	v38 =	vbroadcast v40, $0x0  }
0x18e: {  	[tilespmem:v36+s20+$0x0] =	vst.idx.msk $0xffff, v39  }
0x18f: {  	v39 =	vld [tilespmem:s26+$0x20];
	v40 =	vor.u32 v34, v38;
	_ =	sdelay $0x1  }
0x190: {  	s28 =	simm.s32 $0x4;
	v37 =	vld [tilespmem:s26+$0x30];
	v38 =	vor.u32 v35, v38  }
0x191: {  	v41 =	vmov s28  }
0x192: {  	v36 =	vand.u32 $0x1FC, v41  }
0x193: {  	s29 =	simm.s32 $0x8;
	v36 =	vbroadcast v36, $0x0;
	[tilespmem:v40+s20+$0x0] =	vst.idx.msk $0xffff, v39  }
.LBB2_9:
0x194: {  	p0 =	sne.s32 s29, $0x1FC  }
0x195: {  	[tilespmem:v38+s20+$0x0] =	vst.idx.msk $0xffff, v37;
	s26 =	sadd.s32 $0x80, s26;
	s30 =	smov.u32 s29;
	s29 =	sadd.s32 $0x4, s29  }
0x196: {  	v37 =	vld [tilespmem:s26+$0xFFFFFFC0];
	v38 =	vor.u32 v34, v36  }
0x197: {  	v36 =	vor.u32 v35, v36;
	v39 =	vld [tilespmem:s26+$0xFFFFFFD0]  }
0x198: {  	s31 =	sadd.s32 $0x1, s28  }
0x199: {  	v40 =	vmov s31  }
0x19a: {  	v40 =	vand.u32 $0x1FD, v40  }
0x19b: {  	[tilespmem:v38+s20+$0x0] =	vst.idx.msk $0xffff, v37;
	v37 =	vbroadcast v40, $0x0  }
0x19c: {  	[tilespmem:v36+s20+$0x0] =	vst.idx.msk $0xffff, v39  }
0x19d: {  	v36 =	vld [tilespmem:s26+$0xFFFFFFE0];
	v38 =	vor.u32 v34, v37  }
0x19e: {  	v37 =	vor.u32 v35, v37;
	v39 =	vld [tilespmem:s26+$0xFFFFFFF0]  }
0x19f: {  	s31 =	sadd.s32 $0x2, s28  }
0x1a0: {  	v40 =	vmov s31  }
0x1a1: {  	v40 =	vand.u32 $0x1FE, v40  }
0x1a2: {  	[tilespmem:v38+s20+$0x0] =	vst.idx.msk $0xffff, v36;
	v36 =	vbroadcast v40, $0x0  }
0x1a3: {  	[tilespmem:v37+s20+$0x0] =	vst.idx.msk $0xffff, v39  }
0x1a4: {  	v37 =	vld [tilespmem:s26+$0x0];
	v38 =	vor.u32 v34, v36  }
0x1a5: {  	v36 =	vor.u32 v35, v36;
	v39 =	vld [tilespmem:s26+$0x10]  }
0x1a6: {  	s31 =	sadd.s32 $0x3, s28;
	s28 =	smov.u32 s30  }
0x1a7: {  	v40 =	vmov s31  }
0x1a8: {  	v40 =	vand.u32 $0x1FF, v40  }
0x1a9: {  	[tilespmem:v38+s20+$0x0] =	vst.idx.msk $0xffff, v37;
	v38 =	vbroadcast v40, $0x0  }
0x1aa: {  	[tilespmem:v36+s20+$0x0] =	vst.idx.msk $0xffff, v39  }
0x1ab: {  	v39 =	vld [tilespmem:s26+$0x20];
	v40 =	vor.u32 v34, v38  }
.Ltmp6:
0x1ac: {  	v38 =	vor.u32 v35, v38;
	v37 =	vld [tilespmem:s26+$0x30];
	(pc) =	sbr.rel @p0 .LBB2_9-.Ltmp6, $4  }
0x1ad: {  	_ = 	snop  }
0x1ae: {  	v36 =	vmov s28  }
0x1af: {  	v36 =	vand.u32 $0x1FC, v36  }
0x1b0: {  	v36 =	vbroadcast v36, $0x0;
	[tilespmem:v40+s20+$0x0] =	vst.idx.msk $0xffff, v39  }
0x1b1: {  	_ =	sdelay $0x3  }
0x1b2: {  	[tilespmem:v38+s20+$0x0] =	vst.idx.msk $0xffff, v37;
	s26 =	sadd.s32 $0x80, s26  }
0x1b3: {  	v37 =	vld [tilespmem:s26+$0xFFFFFFC0];
	v38 =	vor.u32 v34, v36  }
0x1b4: {  	v39 =	vld [tilespmem:s26+$0xFFFFFFD0];
	v36 =	vor.u32 v35, v36  }
0x1b5: {  	s29 =	sadd.s32 $0x1, s28  }
0x1b6: {  	v40 =	vmov s29  }
0x1b7: {  	v40 =	vand.u32 $0x1FD, v40  }
0x1b8: {  	[tilespmem:v38+s20+$0x0] =	vst.idx.msk $0xffff, v37;
	v37 =	vbroadcast v40, $0x0  }
0x1b9: {  	[tilespmem:v36+s20+$0x0] =	vst.idx.msk $0xffff, v39  }
0x1ba: {  	v36 =	vld [tilespmem:s26+$0xFFFFFFE0];
	v38 =	vor.u32 v34, v37  }
0x1bb: {  	v39 =	vld [tilespmem:s26+$0xFFFFFFF0];
	v37 =	vor.u32 v35, v37  }
0x1bc: {  	s30 =	sadd.s32 $0x2, s28  }
0x1bd: {  	v40 =	vmov s30  }
0x1be: {  	v40 =	vand.u32 $0x1FE, v40  }
0x1bf: {  	[tilespmem:v38+s20+$0x0] =	vst.idx.msk $0xffff, v36;
	v36 =	vbroadcast v40, $0x0  }
0x1c0: {  	[tilespmem:v37+s20+$0x0] =	vst.idx.msk $0xffff, v39  }
0x1c1: {  	v37 =	vld [tilespmem:s26+$0x0];
	v38 =	vor.u32 v34, v36  }
0x1c2: {  	v39 =	vld [tilespmem:s26+$0x10];
	v36 =	vor.u32 v35, v36  }
0x1c3: {  	s31 =	sadd.s32 $0x3, s28  }
0x1c4: {  	v40 =	vmov s31  }
0x1c5: {  	v40 =	vand.u32 $0x1FF, v40  }
0x1c6: {  	v41 =	vbroadcast v40, $0x0;
	[tilespmem:v38+s20+$0x0] =	vst.idx.msk $0xffff, v37  }
0x1c7: {  	[tilespmem:v36+s20+$0x0] =	vst.idx.msk $0xffff, v39  }
0x1c8: {  	v40 =	vor.u32 v34, v41;
	v36 =	vld [tilespmem:s26+$0x20]  }
0x1c9: {  	v41 =	vor.u32 v35, v41;
	v38 =	vld [tilespmem:s26+$0x30]  }
0x1ca: {  	p0 =	seq.s32 s23, $0x18  }
.Ltmp7:
0x1cb: {  	_ = 	snop;
	(pc) =	sbr.rel @p0 .LBB2_12-.Ltmp7, $4  }
0x1cc: {  	_ = 	snop  }
0x1cd: {  	[tilespmem:v40+s20+$0x0] =	vst.idx.msk $0xffff, v36  }
0x1ce: {  	s25 =	sadd.s32 s25, s7;
	[tilespmem:v41+s20+$0x0] =	vst.idx.msk $0xffff, v38  }
0x1cf: {  	[hbm4b:s25+s10] =	stream.strided.scatter [tilespmem:s20], [sflag:$0x4], $0x4000, s17, s10, $0x38;
	[tilespmem:$0x16800] =	vst v63  }
0x1d0: {  	s24 =	sadd.s32 $0x3, s24  }
0x1d1: {  	v34 =	vadd.s32 s24, v1;
	_ =	sdelay $0x4  }
0x1d2: {  	v34 =	vld.idx.msk [tilespmem:v34+s2+$0x0], $0xffff  }
0x1d3: {  	v35 =	vadd.s32 s24, v2;
	_ =	sdelay $0x3  }
0x1d4: {  	[tilespmem:$0x6600] =	vst v34  }
0x1d5: {  	v34 =	vld.idx.msk [tilespmem:v35+s2+$0x0], $0xffff  }
0x1d6: {  	v36 =	vadd.s32 s24, v3;
	_ =	sdelay $0x3  }
0x1d7: {  	[tilespmem:$0x6610] =	vst v34  }
0x1d8: {  	v34 =	vld.idx.msk [tilespmem:v36+s2+$0x0], $0xffff  }
0x1d9: {  	v37 =	vadd.s32 s24, v4;
	_ =	sdelay $0x3  }
0x1da: {  	[tilespmem:$0x6620] =	vst v34  }
0x1db: {  	v34 =	vld.idx.msk [tilespmem:v37+s2+$0x0], $0xffff  }
0x1dc: {  	v38 =	vadd.s32 s24, v5;
	_ =	sdelay $0x3  }
0x1dd: {  	[tilespmem:$0x6630] =	vst v34  }
0x1de: {  	v34 =	vld.idx.msk [tilespmem:v38+s2+$0x0], $0xffff  }
0x1df: {  	v39 =	vadd.s32 s24, v6;
	_ =	sdelay $0x3  }
0x1e0: {  	[tilespmem:$0x6640] =	vst v34  }
0x1e1: {  	v34 =	vld.idx.msk [tilespmem:v39+s2+$0x0], $0xffff  }
0x1e2: {  	v40 =	vadd.s32 s24, v7;
	_ =	sdelay $0x3  }
0x1e3: {  	[tilespmem:$0x6650] =	vst v34  }
0x1e4: {  	v34 =	vld.idx.msk [tilespmem:v40+s2+$0x0], $0xffff  }
0x1e5: {  	v41 =	vadd.s32 s24, v8;
	_ =	sdelay $0x3  }
0x1e6: {  	[tilespmem:$0x6660] =	vst v34  }
0x1e7: {  	v34 =	vld.idx.msk [tilespmem:v41+s2+$0x0], $0xffff  }
0x1e8: {  	v36 =	vadd.s32 s24, v9;
	_ =	sdelay $0x3  }
0x1e9: {  	[tilespmem:$0x6670] =	vst v34  }
0x1ea: {  	v34 =	vld.idx.msk [tilespmem:v36+s2+$0x0], $0xffff  }
0x1eb: {  	v37 =	vadd.s32 s24, v10;
	_ =	sdelay $0x3  }
0x1ec: {  	[tilespmem:$0x6680] =	vst v34  }
0x1ed: {  	v34 =	vld.idx.msk [tilespmem:v37+s2+$0x0], $0xffff  }
0x1ee: {  	v38 =	vadd.s32 s24, v11;
	_ =	sdelay $0x3  }
0x1ef: {  	[tilespmem:$0x6690] =	vst v34  }
0x1f0: {  	v34 =	vld.idx.msk [tilespmem:v38+s2+$0x0], $0xffff  }
0x1f1: {  	v39 =	vadd.s32 s24, v12;
	_ =	sdelay $0x3  }
0x1f2: {  	[tilespmem:$0x66A0] =	vst v34  }
0x1f3: {  	v34 =	vld.idx.msk [tilespmem:v39+s2+$0x0], $0xffff  }
0x1f4: {  	v40 =	vadd.s32 s24, v13;
	_ =	sdelay $0x3  }
0x1f5: {  	[tilespmem:$0x66B0] =	vst v34  }
0x1f6: {  	v34 =	vld.idx.msk [tilespmem:v40+s2+$0x0], $0xffff  }
0x1f7: {  	v41 =	vadd.s32 s24, v14;
	_ =	sdelay $0x3  }
0x1f8: {  	[tilespmem:$0x66C0] =	vst v34  }
0x1f9: {  	v34 =	vld.idx.msk [tilespmem:v41+s2+$0x0], $0xffff  }
0x1fa: {  	v36 =	vadd.s32 s24, v15;
	_ =	sdelay $0x3  }
0x1fb: {  	[tilespmem:$0x66D0] =	vst v34  }
0x1fc: {  	v34 =	vld.idx.msk [tilespmem:v36+s2+$0x0], $0xffff  }
0x1fd: {  	v37 =	vadd.s32 s24, v16;
	_ =	sdelay $0x3  }
0x1fe: {  	[tilespmem:$0x66E0] =	vst v34  }
0x1ff: {  	v34 =	vld.idx.msk [tilespmem:v37+s2+$0x0], $0xffff  }
0x200: {  	v38 =	vadd.s32 s24, v17;
	_ =	sdelay $0x3  }
0x201: {  	[tilespmem:$0x66F0] =	vst v34  }
0x202: {  	v34 =	vld.idx.msk [tilespmem:v38+s2+$0x0], $0xffff  }
0x203: {  	v39 =	vadd.s32 s24, v18;
	_ =	sdelay $0x3  }
0x204: {  	[tilespmem:$0x6700] =	vst v34  }
0x205: {  	v34 =	vld.idx.msk [tilespmem:v39+s2+$0x0], $0xffff  }
0x206: {  	v40 =	vadd.s32 s24, v19;
	_ =	sdelay $0x3  }
0x207: {  	[tilespmem:$0x6710] =	vst v34  }
0x208: {  	v34 =	vld.idx.msk [tilespmem:v40+s2+$0x0], $0xffff  }
0x209: {  	v41 =	vadd.s32 s24, v20;
	_ =	sdelay $0x3  }
0x20a: {  	[tilespmem:$0x6720] =	vst v34  }
0x20b: {  	v34 =	vld.idx.msk [tilespmem:v41+s2+$0x0], $0xffff  }
0x20c: {  	v36 =	vadd.s32 s24, v21;
	_ =	sdelay $0x3  }
0x20d: {  	[tilespmem:$0x6730] =	vst v34  }
0x20e: {  	v34 =	vld.idx.msk [tilespmem:v36+s2+$0x0], $0xffff  }
0x20f: {  	v37 =	vadd.s32 s24, v22;
	_ =	sdelay $0x3  }
0x210: {  	[tilespmem:$0x6740] =	vst v34  }
0x211: {  	v34 =	vld.idx.msk [tilespmem:v37+s2+$0x0], $0xffff  }
0x212: {  	v38 =	vadd.s32 s24, v23;
	_ =	sdelay $0x3  }
0x213: {  	[tilespmem:$0x6750] =	vst v34  }
0x214: {  	v34 =	vld.idx.msk [tilespmem:v38+s2+$0x0], $0xffff  }
0x215: {  	v39 =	vadd.s32 s24, v24;
	_ =	sdelay $0x3  }
0x216: {  	[tilespmem:$0x6760] =	vst v34  }
0x217: {  	v34 =	vld.idx.msk [tilespmem:v39+s2+$0x0], $0xffff  }
0x218: {  	v40 =	vadd.s32 s24, v25;
	_ =	sdelay $0x3  }
0x219: {  	[tilespmem:$0x6770] =	vst v34  }
0x21a: {  	v34 =	vld.idx.msk [tilespmem:v40+s2+$0x0], $0xffff  }
0x21b: {  	v41 =	vadd.s32 s24, v26;
	_ =	sdelay $0x3  }
0x21c: {  	[tilespmem:$0x6780] =	vst v34  }
0x21d: {  	v34 =	vld.idx.msk [tilespmem:v41+s2+$0x0], $0xffff  }
0x21e: {  	v36 =	vadd.s32 s24, v27;
	_ =	sdelay $0x3  }
0x21f: {  	[tilespmem:$0x6790] =	vst v34  }
0x220: {  	v34 =	vld.idx.msk [tilespmem:v36+s2+$0x0], $0xffff  }
0x221: {  	v37 =	vadd.s32 s24, v28;
	_ =	sdelay $0x3  }
0x222: {  	[tilespmem:$0x67A0] =	vst v34  }
0x223: {  	v34 =	vld.idx.msk [tilespmem:v37+s2+$0x0], $0xffff  }
0x224: {  	v38 =	vadd.s32 s24, v29;
	_ =	sdelay $0x3  }
0x225: {  	[tilespmem:$0x67B0] =	vst v34  }
0x226: {  	v34 =	vld.idx.msk [tilespmem:v38+s2+$0x0], $0xffff  }
0x227: {  	v39 =	vadd.s32 s24, v30;
	_ =	sdelay $0x3  }
0x228: {  	[tilespmem:$0x67C0] =	vst v34  }
0x229: {  	v34 =	vld.idx.msk [tilespmem:v39+s2+$0x0], $0xffff  }
0x22a: {  	v40 =	vadd.s32 s24, v31;
	_ =	sdelay $0x3  }
0x22b: {  	[tilespmem:$0x67D0] =	vst v34  }
0x22c: {  	v34 =	vld.idx.msk [tilespmem:v40+s2+$0x0], $0xffff  }
0x22d: {  	v41 =	vadd.s32 s24, v32;
	_ =	sdelay $0x3  }
0x22e: {  	[tilespmem:$0x67E0] =	vst v34  }
0x22f: {  	v34 =	vld.idx.msk [tilespmem:v41+s2+$0x0], $0xffff;
	_ =	sdelay $0x1  }
.Ltmp8:
0x230: {  	_ = 	snop;
	(pc) =	sbr.rel .LBB2_2-.Ltmp8, $3  }
0x231: {  	_ =	sdelay $0x1  }
0x232: {  	s23 =	sadd.s32 $0x1, s23;
	[tilespmem:$0x67F0] =	vst v34  }
0x233: {  	[tilespmem:s14], [sflag:$0x2] =	stream.indirect.gather [hbm4b:s3+s10], $0x20, s13, s10, $0xb8;
	[tilespmem:$0x16800] =	vst v63  }
.LBB2_13:
0x234: {  	_ =	sfence.sel $0x180000  }
0x235: {  	[bflag:$0x0] =	sbarrier.arrive $0xFFFF  }
0x236: {  	p0 =	sne.s32 s1, $0x0;
	_ =	strace $0x90000047  }
0x237: {  	s0 =	sadd.s32 @!p0 $0x100000, s0;
	[bflag:$0x2] =	sbarrier.arrive $0xFFFF  }
0x238: {  	[sflag:s0] =	ssyncadd.tile.s32 @!p0 $0x1;
	_ =	shalt  }
.Lfunc_end2:
_tile_overlayer_lowered:
.L_overlay_start_2:
0x239: {  	(tag) =	ssettag $0x2  }
0x23a: {  	s0 =	rddreg [dreg:$0x0];
	s2 =	stileid.u32  }
0x23b: {  	s1 =	rddreg [dreg:$0x1];
	p0 =	sne.s32 s2, $0x0  }
0x23c: {  	s3 =	rddreg [dreg:$0x2];
	[bflag:$0x3] =	sbarrier.arrive $0xFFFF;
	s2 =	simm.s32 @!p0 $0x1C05  }
0x23d: {  	[timem:s3], [sflag:s2] =	dma.local @!p0 [hbm:s0], s1  }
0x23e: {  	s0 =	simm.s32 @!p0 $0x5  }
0x23f: {  	_ =	swait.ge @!p0 [sflag:s0], s1  }
0x240: {  	s1 =	ssub.s32 @!p0 $0x0, s1;
	[sflag:s0] =	ssyncset.done @!p0 $0x0  }
0x241: {  	[sflag:s0] =	ssyncadd.s32 @!p0 s1  }
0x242: {  	[bflag:$0x3] =	sbarrier.arrive $0xFFFF  }
0x243: {  	_ =	shalt  }

</sc_bundles>
